<compile_context>
chip_gen: v7x
topology: tpu7x:2x2x1
jax: 0.10.2.dev20260603
libtpu: 0.0.44.dev20260713+nightly
codegen_flags: <defaults>
</compile_context>

<pallas_src>
import jax
import jax.numpy as jnp
from jax import lax
from jax.experimental import pallas as pl
from jax.experimental.pallas import tpu as pltpu
from jax.experimental.pallas import tpu_sc as plsc

NUM_HEADS = 16
NUM_BUCKETS = 32
QLEN = 2048
KLEN = 2048
TQ = 2048
WWIN = 2 * KLEN
HALF = WWIN // 2
LANES = 16

_LARGE_THRESHOLDS = (19, 21, 24, 27, 31, 35, 40, 46, 52, 59, 67, 77, 87, 99, 113)


def _sc_lookup_body(table_t_hbm, out_hbm, trow, wbuf):
    h = lax.axis_index("s")
    pltpu.sync_copy(table_t_hbm.at[pl.ds(h * NUM_BUCKETS, NUM_BUCKETS)], trow)
    tlo = trow[pl.ds(0, LANES)]
    thi = trow[pl.ds(LANES, LANES)]
    max_exact = NUM_BUCKETS // 2

    def gather(vec, idx):
        return jnp.take_along_axis(vec, idx, axis=0, mode="promise_in_bounds")

    def body_pos(it, carry):
        j = it * LANES + lax.iota(jnp.int32, LANES)
        idx = jnp.minimum(KLEN - j, LANES - 1)
        wbuf[pl.ds(it * LANES, LANES)] = gather(thi, idx)
        return carry

    def body_neg(it, carry):
        d = it * LANES + lax.iota(jnp.int32, LANES)
        s = jnp.zeros((LANES,), jnp.int32)
        for t in _LARGE_THRESHOLDS:
            s = s + jnp.minimum(jnp.maximum(d - (t - 1), 0), 1)
        lo = gather(tlo, jnp.minimum(d, LANES - 1))
        hi = gather(thi, s)
        small = jnp.logical_and(1 <= d, d < max_exact)
        wbuf[pl.ds(HALF + it * LANES, LANES)] = jnp.where(small, lo, hi)
        return carry

    lax.fori_loop(0, HALF // LANES, body_pos, 0, unroll=8)
    lax.fori_loop(0, HALF // LANES, body_neg, 0, unroll=8)

    pltpu.sync_copy(wbuf, out_hbm.at[pl.ds(h * WWIN, WWIN)])


def _expand_kernel(w_ref, out_ref):
    wrow = w_ref[0, 0, :][None, :]
    ch = 512
    for c in range(TQ // ch):
        w = jnp.broadcast_to(wrow, (ch, WWIN))
        rolled = pltpu.roll(w, c * ch, 1, stride=1, stride_axis=0)
        out_ref[0, c * ch:(c + 1) * ch, :] = rolled[:, KLEN:]


def kernel(table, qlen, klen):
    table_t = table.T.reshape(-1)
    w_sc = pl.kernel(
        _sc_lookup_body,
        out_type=jax.ShapeDtypeStruct((NUM_HEADS * WWIN,), jnp.float32),
        mesh=plsc.VectorSubcoreMesh(
            core_axis_name="c", subcore_axis_name="s", num_cores=1),
        scratch_types=[
            pltpu.VMEM((NUM_BUCKETS,), jnp.float32),
            pltpu.VMEM((WWIN,), jnp.float32),
        ],
    )(table_t)
    w_all = w_sc.reshape(NUM_HEADS, 1, WWIN)
    out = pl.pallas_call(
        _expand_kernel,
        grid=(NUM_HEADS,),
        in_specs=[pl.BlockSpec((1, 1, WWIN), lambda h: (h, 0, 0))],
        out_specs=pl.BlockSpec((1, TQ, KLEN), lambda h: (h, 0, 0)),
        out_shape=jax.ShapeDtypeStruct((NUM_HEADS, QLEN, KLEN), jnp.float32),
        compiler_params=pltpu.CompilerParams(
            dimension_semantics=("parallel",),
        ),
    )(w_all)
    return out

# --- scband reference (transcript-rebuilt; emitter-appended) ---
"""Pipeline reference for scband-relative-position-bias-29695403885036 (READ-ONLY COPY).

The authoritative reference and input builder live on the scoring server;
editing this copy changes nothing except your own understanding.
"""

import math
import jax, jax.numpy as jnp
import numpy as np

NUM_HEADS = 16
NUM_BUCKETS = 32
MAX_DISTANCE = 128

def setup_inputs(seed: int = 0) -> dict:
    key = jax.random.key(seed)
    table = jax.random.normal(key, (NUM_BUCKETS, NUM_HEADS), dtype=jnp.float32) * 0.02
    return {"table": table, "qlen": 2048, "klen": 2048}

def reference(table, qlen, klen):
    QLEN = 2048
    KLEN = 2048
    q_pos = (jnp.arange(QLEN, dtype=jnp.int32) + qlen - qlen)[:, None]
    k_pos = (jnp.arange(KLEN, dtype=jnp.int32) + klen - klen)[None, :]
    rel_pos = q_pos - k_pos
    sign = rel_pos < 0
    dist = jnp.abs(rel_pos)
    max_exact = NUM_BUCKETS // 2
    is_small = dist < max_exact
    small_bucket = dist
    large_f = jnp.log(dist.astype(jnp.float32) / max_exact + 1e-06) / math.log(MAX_DISTANCE / max_exact + 1e-06) * (NUM_BUCKETS - max_exact)
    large_bucket = max_exact + large_f.astype(jnp.int32)
    large_bucket = jnp.minimum(large_bucket, NUM_BUCKETS - 1)
    buckets = jnp.where(is_small, small_bucket, large_bucket)
    half = NUM_BUCKETS // 2
    buckets = jnp.where(sign, buckets, buckets + half)
    buckets = jnp.minimum(buckets, NUM_BUCKETS - 1)
    values = jnp.take(table, buckets, axis=0)  # [qlen, klen, num_heads]
    return jnp.transpose(values, (2, 0, 1))  # [num_heads, qlen, klen]

if __name__ == "__main__":
    import jax
    _d = setup_inputs()
    print(jax.jit(kernel)(*tuple(_d.values())))

</pallas_src>

<mosaic_0001>
#map = affine_map<(d0, d1) -> (0)>
module attributes {stable_mosaic.version = 14 : i64} {
  func.func @_sc_lookup_body(%arg0: i32, %arg1: i32, %arg2: memref<512xf32, #tpu.memory_space<hbm>>, %arg3: memref<65536xf32, #tpu.memory_space<hbm>>, %arg4: memref<32xf32, #tpu.memory_space<vmem>>, %arg5: memref<4096xf32, #tpu.memory_space<vmem>>) attributes {dimension_semantics = [#tpu.dimension_semantics<core_parallel>, #tpu.dimension_semantics<subcore_parallel>], iteration_bounds = array<i64: 1, 16>, scalar_prefetch = 0 : i64, scratch_operands = 2 : i64, tpu.core_type = #tpu.core_type<sc_vector_subcore>, window_params = [{transform_indices = #map}, {transform_indices = #map}]} {
    %mul3A = arith.constant 32 : i32
    %mul3A_0 = arith.muli %arg1, %mul3A : i32
    "tpu.region"() ({
      %run_scoped3A = tpu.sem_alloc : memref<!tpu.dma_semaphore, #tpu.memory_space<semaphore_mem>>
      %dma_start3A = tpu.memref_slice %arg2[%mul3A_0] : memref<512xf32, #tpu.memory_space<hbm>> -> memref<32xf32, #tpu.memory_space<hbm>>
      %dma_start3A_19 = tpu.memref_slice %arg2[%mul3A_0] : memref<512xf32, #tpu.memory_space<hbm>> -> memref<32xf32, #tpu.memory_space<hbm>>
      tpu.enqueue_dma source(%dma_start3A_19 : memref<32xf32, #tpu.memory_space<hbm>>) target(%arg4 : memref<32xf32, #tpu.memory_space<vmem>>) target_semaphore(%run_scoped3A : memref<!tpu.dma_semaphore, #tpu.memory_space<semaphore_mem>>)
      %dma_wait3A = tpu.memref_slice %arg2[%mul3A_0] : memref<512xf32, #tpu.memory_space<hbm>> -> memref<32xf32, #tpu.memory_space<hbm>>
      %dma_wait3A_20 = tpu.memref_slice %arg2[%mul3A_0] : memref<512xf32, #tpu.memory_space<hbm>> -> memref<32xf32, #tpu.memory_space<hbm>>
      tpu.wait_dma2 semaphore(%run_scoped3A : memref<!tpu.dma_semaphore, #tpu.memory_space<semaphore_mem>>) src(%dma_wait3A_20 : memref<32xf32, #tpu.memory_space<hbm>>) dst(%arg4 : memref<32xf32, #tpu.memory_space<vmem>>)
      tpu.yield
    }) : () -> ()
    %get3A = arith.constant 0 : index
    %get3A_1 = tpu.vector_load %arg4[%get3A] {strides = array<i32>} : memref<32xf32, #tpu.memory_space<vmem>>, vector<16xf32>,
    %get3A_2 = vector.shape_cast %get3A_1 : vector<16xf32> to vector<16xf32>
    %get3A_3 = arith.constant 16 : index
    %get3A_4 = tpu.vector_load %arg4[%get3A_3] {strides = array<i32>} : memref<32xf32, #tpu.memory_space<vmem>>, vector<16xf32>,
    %get3A_5 = vector.shape_cast %get3A_4 : vector<16xf32> to vector<16xf32>
    %scan3A = arith.constant 0 : i32
    %scan3A_6 = arith.constant 0 : i32
    %scan3A_7 = arith.constant 128 : i32
    %scan3A_8 = arith.addi %scan3A_6, %scan3A_7 : i32
    %scan3A_9 = arith.constant 8 : i32
    scf.for %scan3A_19 = %scan3A_6 to %scan3A_8 step %scan3A_9  : i32 {
      %mul3A_20 = arith.constant 16 : i32
      %mul3A_21 = arith.muli %scan3A_19, %mul3A_20 : i32
      %iota3A = tpu.iota {dimensions = array<i32: 0>} : vector<16xi32>
      %add3A = vector.broadcast %mul3A_21 : i32 to vector<16xi32>
      %add3A_22 = arith.addi %add3A, %iota3A : vector<16xi32>
      %sub3A = arith.constant 2048 : i32
      %sub3A_23 = vector.broadcast %sub3A : i32 to vector<16xi32>
      %sub3A_24 = arith.subi %sub3A_23, %add3A_22 : vector<16xi32>
      %min3A = arith.constant 15 : i32
      %min3A_25 = vector.broadcast %min3A : i32 to vector<16xi32>
      %min3A_26 = arith.minsi %sub3A_24, %min3A_25 : vector<16xi32>
      %reshape3A = vector.shape_cast %min3A_26 : vector<16xi32> to vector<16x1xi32>
      %gather3A = vector.shape_cast %reshape3A : vector<16x1xi32> to vector<16xi32>
      %gather3A_27 = tpu.dynamic_gather %get3A_5[%gather3A] in [0] : vector<16xf32>, vector<16xi32> -> vector<16xf32>
      %mul3A_28 = arith.constant 16 : i32
      %mul3A_29 = arith.muli %scan3A_19, %mul3A_28 : i32
      %swap3A = arith.index_cast %mul3A_29 : i32 to index
      %swap3A_30 = tpu.vector_load %arg5[%swap3A] {strides = array<i32>} : memref<4096xf32, #tpu.memory_space<vmem>>, vector<16xf32>,
      %swap3A_31 = vector.shape_cast %swap3A_30 : vector<16xf32> to vector<16xf32>
      %swap3A_32 = vector.shape_cast %gather3A_27 : vector<16xf32> to vector<16xf32>
      tpu.vector_store %arg5[%swap3A], %swap3A_32 {strides = array<i32>} : memref<4096xf32, #tpu.memory_space<vmem>>, vector<16xf32>,
      %scan3A_33 = arith.constant 1 : i32
      %scan3A_34 = arith.addi %scan3A_19, %scan3A_33 : i32
      %mul3A_35 = arith.constant 16 : i32
      %mul3A_36 = arith.muli %scan3A_34, %mul3A_35 : i32
      %iota3A_37 = tpu.iota {dimensions = array<i32: 0>} : vector<16xi32>
      %add3A_38 = vector.broadcast %mul3A_36 : i32 to vector<16xi32>
      %add3A_39 = arith.addi %add3A_38, %iota3A_37 : vector<16xi32>
      %sub3A_40 = arith.constant 2048 : i32
      %sub3A_41 = vector.broadcast %sub3A_40 : i32 to vector<16xi32>
      %sub3A_42 = arith.subi %sub3A_41, %add3A_39 : vector<16xi32>
      %min3A_43 = arith.constant 15 : i32
      %min3A_44 = vector.broadcast %min3A_43 : i32 to vector<16xi32>
      %min3A_45 = arith.minsi %sub3A_42, %min3A_44 : vector<16xi32>
      %reshape3A_46 = vector.shape_cast %min3A_45 : vector<16xi32> to vector<16x1xi32>
      %gather3A_47 = vector.shape_cast %reshape3A_46 : vector<16x1xi32> to vector<16xi32>
      %gather3A_48 = tpu.dynamic_gather %get3A_5[%gather3A_47] in [0] : vector<16xf32>, vector<16xi32> -> vector<16xf32>
      %mul3A_49 = arith.constant 16 : i32
      %mul3A_50 = arith.muli %scan3A_34, %mul3A_49 : i32
      %swap3A_51 = arith.index_cast %mul3A_50 : i32 to index
      %swap3A_52 = tpu.vector_load %arg5[%swap3A_51] {strides = array<i32>} : memref<4096xf32, #tpu.memory_space<vmem>>, vector<16xf32>,
      %swap3A_53 = vector.shape_cast %swap3A_52 : vector<16xf32> to vector<16xf32>
      %swap3A_54 = vector.shape_cast %gather3A_48 : vector<16xf32> to vector<16xf32>
      tpu.vector_store %arg5[%swap3A_51], %swap3A_54 {strides = array<i32>} : memref<4096xf32, #tpu.memory_space<vmem>>, vector<16xf32>,
      %scan3A_55 = arith.constant 2 : i32
      %scan3A_56 = arith.addi %scan3A_19, %scan3A_55 : i32
      %mul3A_57 = arith.constant 16 : i32
      %mul3A_58 = arith.muli %scan3A_56, %mul3A_57 : i32
      %iota3A_59 = tpu.iota {dimensions = array<i32: 0>} : vector<16xi32>
      %add3A_60 = vector.broadcast %mul3A_58 : i32 to vector<16xi32>
      %add3A_61 = arith.addi %add3A_60, %iota3A_59 : vector<16xi32>
      %sub3A_62 = arith.constant 2048 : i32
      %sub3A_63 = vector.broadcast %sub3A_62 : i32 to vector<16xi32>
      %sub3A_64 = arith.subi %sub3A_63, %add3A_61 : vector<16xi32>
      %min3A_65 = arith.constant 15 : i32
      %min3A_66 = vector.broadcast %min3A_65 : i32 to vector<16xi32>
      %min3A_67 = arith.minsi %sub3A_64, %min3A_66 : vector<16xi32>
      %reshape3A_68 = vector.shape_cast %min3A_67 : vector<16xi32> to vector<16x1xi32>
      %gather3A_69 = vector.shape_cast %reshape3A_68 : vector<16x1xi32> to vector<16xi32>
      %gather3A_70 = tpu.dynamic_gather %get3A_5[%gather3A_69] in [0] : vector<16xf32>, vector<16xi32> -> vector<16xf32>
      %mul3A_71 = arith.constant 16 : i32
      %mul3A_72 = arith.muli %scan3A_56, %mul3A_71 : i32
      %swap3A_73 = arith.index_cast %mul3A_72 : i32 to index
      %swap3A_74 = tpu.vector_load %arg5[%swap3A_73] {strides = array<i32>} : memref<4096xf32, #tpu.memory_space<vmem>>, vector<16xf32>,
      %swap3A_75 = vector.shape_cast %swap3A_74 : vector<16xf32> to vector<16xf32>
      %swap3A_76 = vector.shape_cast %gather3A_70 : vector<16xf32> to vector<16xf32>
      tpu.vector_store %arg5[%swap3A_73], %swap3A_76 {strides = array<i32>} : memref<4096xf32, #tpu.memory_space<vmem>>, vector<16xf32>,
      %scan3A_77 = arith.constant 3 : i32
      %scan3A_78 = arith.addi %scan3A_19, %scan3A_77 : i32
      %mul3A_79 = arith.constant 16 : i32
      %mul3A_80 = arith.muli %scan3A_78, %mul3A_79 : i32
      %iota3A_81 = tpu.iota {dimensions = array<i32: 0>} : vector<16xi32>
      %add3A_82 = vector.broadcast %mul3A_80 : i32 to vector<16xi32>
      %add3A_83 = arith.addi %add3A_82, %iota3A_81 : vector<16xi32>
      %sub3A_84 = arith.constant 2048 : i32
      %sub3A_85 = vector.broadcast %sub3A_84 : i32 to vector<16xi32>
      %sub3A_86 = arith.subi %sub3A_85, %add3A_83 : vector<16xi32>
      %min3A_87 = arith.constant 15 : i32
      %min3A_88 = vector.broadcast %min3A_87 : i32 to vector<16xi32>
      %min3A_89 = arith.minsi %sub3A_86, %min3A_88 : vector<16xi32>
      %reshape3A_90 = vector.shape_cast %min3A_89 : vector<16xi32> to vector<16x1xi32>
      %gather3A_91 = vector.shape_cast %reshape3A_90 : vector<16x1xi32> to vector<16xi32>
      %gather3A_92 = tpu.dynamic_gather %get3A_5[%gather3A_91] in [0] : vector<16xf32>, vector<16xi32> -> vector<16xf32>
      %mul3A_93 = arith.constant 16 : i32
      %mul3A_94 = arith.muli %scan3A_78, %mul3A_93 : i32
      %swap3A_95 = arith.index_cast %mul3A_94 : i32 to index
      %swap3A_96 = tpu.vector_load %arg5[%swap3A_95] {strides = array<i32>} : memref<4096xf32, #tpu.memory_space<vmem>>, vector<16xf32>,
      %swap3A_97 = vector.shape_cast %swap3A_96 : vector<16xf32> to vector<16xf32>
      %swap3A_98 = vector.shape_cast %gather3A_92 : vector<16xf32> to vector<16xf32>
      tpu.vector_store %arg5[%swap3A_95], %swap3A_98 {strides = array<i32>} : memref<4096xf32, #tpu.memory_space<vmem>>, vector<16xf32>,
      %scan3A_99 = arith.constant 4 : i32
      %scan3A_100 = arith.addi %scan3A_19, %scan3A_99 : i32
      %mul3A_101 = arith.constant 16 : i32
      %mul3A_102 = arith.muli %scan3A_100, %mul3A_101 : i32
      %iota3A_103 = tpu.iota {dimensions = array<i32: 0>} : vector<16xi32>
      %add3A_104 = vector.broadcast %mul3A_102 : i32 to vector<16xi32>
      %add3A_105 = arith.addi %add3A_104, %iota3A_103 : vector<16xi32>
      %sub3A_106 = arith.constant 2048 : i32
      %sub3A_107 = vector.broadcast %sub3A_106 : i32 to vector<16xi32>
      %sub3A_108 = arith.subi %sub3A_107, %add3A_105 : vector<16xi32>
      %min3A_109 = arith.constant 15 : i32
      %min3A_110 = vector.broadcast %min3A_109 : i32 to vector<16xi32>
      %min3A_111 = arith.minsi %sub3A_108, %min3A_110 : vector<16xi32>
      %reshape3A_112 = vector.shape_cast %min3A_111 : vector<16xi32> to vector<16x1xi32>
      %gather3A_113 = vector.shape_cast %reshape3A_112 : vector<16x1xi32> to vector<16xi32>
      %gather3A_114 = tpu.dynamic_gather %get3A_5[%gather3A_113] in [0] : vector<16xf32>, vector<16xi32> -> vector<16xf32>
      %mul3A_115 = arith.constant 16 : i32
      %mul3A_116 = arith.muli %scan3A_100, %mul3A_115 : i32
      %swap3A_117 = arith.index_cast %mul3A_116 : i32 to index
      %swap3A_118 = tpu.vector_load %arg5[%swap3A_117] {strides = array<i32>} : memref<4096xf32, #tpu.memory_space<vmem>>, vector<16xf32>,
      %swap3A_119 = vector.shape_cast %swap3A_118 : vector<16xf32> to vector<16xf32>
      %swap3A_120 = vector.shape_cast %gather3A_114 : vector<16xf32> to vector<16xf32>
      tpu.vector_store %arg5[%swap3A_117], %swap3A_120 {strides = array<i32>} : memref<4096xf32, #tpu.memory_space<vmem>>, vector<16xf32>,
      %scan3A_121 = arith.constant 5 : i32
      %scan3A_122 = arith.addi %scan3A_19, %scan3A_121 : i32
      %mul3A_123 = arith.constant 16 : i32
      %mul3A_124 = arith.muli %scan3A_122, %mul3A_123 : i32
      %iota3A_125 = tpu.iota {dimensions = array<i32: 0>} : vector<16xi32>
      %add3A_126 = vector.broadcast %mul3A_124 : i32 to vector<16xi32>
      %add3A_127 = arith.addi %add3A_126, %iota3A_125 : vector<16xi32>
      %sub3A_128 = arith.constant 2048 : i32
      %sub3A_129 = vector.broadcast %sub3A_128 : i32 to vector<16xi32>
      %sub3A_130 = arith.subi %sub3A_129, %add3A_127 : vector<16xi32>
      %min3A_131 = arith.constant 15 : i32
      %min3A_132 = vector.broadcast %min3A_131 : i32 to vector<16xi32>
      %min3A_133 = arith.minsi %sub3A_130, %min3A_132 : vector<16xi32>
      %reshape3A_134 = vector.shape_cast %min3A_133 : vector<16xi32> to vector<16x1xi32>
      %gather3A_135 = vector.shape_cast %reshape3A_134 : vector<16x1xi32> to vector<16xi32>
      %gather3A_136 = tpu.dynamic_gather %get3A_5[%gather3A_135] in [0] : vector<16xf32>, vector<16xi32> -> vector<16xf32>
      %mul3A_137 = arith.constant 16 : i32
      %mul3A_138 = arith.muli %scan3A_122, %mul3A_137 : i32
      %swap3A_139 = arith.index_cast %mul3A_138 : i32 to index
      %swap3A_140 = tpu.vector_load %arg5[%swap3A_139] {strides = array<i32>} : memref<4096xf32, #tpu.memory_space<vmem>>, vector<16xf32>,
      %swap3A_141 = vector.shape_cast %swap3A_140 : vector<16xf32> to vector<16xf32>
      %swap3A_142 = vector.shape_cast %gather3A_136 : vector<16xf32> to vector<16xf32>
      tpu.vector_store %arg5[%swap3A_139], %swap3A_142 {strides = array<i32>} : memref<4096xf32, #tpu.memory_space<vmem>>, vector<16xf32>,
      %scan3A_143 = arith.constant 6 : i32
      %scan3A_144 = arith.addi %scan3A_19, %scan3A_143 : i32
      %mul3A_145 = arith.constant 16 : i32
      %mul3A_146 = arith.muli %scan3A_144, %mul3A_145 : i32
      %iota3A_147 = tpu.iota {dimensions = array<i32: 0>} : vector<16xi32>
      %add3A_148 = vector.broadcast %mul3A_146 : i32 to vector<16xi32>
      %add3A_149 = arith.addi %add3A_148, %iota3A_147 : vector<16xi32>
      %sub3A_150 = arith.constant 2048 : i32
      %sub3A_151 = vector.broadcast %sub3A_150 : i32 to vector<16xi32>
      %sub3A_152 = arith.subi %sub3A_151, %add3A_149 : vector<16xi32>
      %min3A_153 = arith.constant 15 : i32
      %min3A_154 = vector.broadcast %min3A_153 : i32 to vector<16xi32>
      %min3A_155 = arith.minsi %sub3A_152, %min3A_154 : vector<16xi32>
      %reshape3A_156 = vector.shape_cast %min3A_155 : vector<16xi32> to vector<16x1xi32>
      %gather3A_157 = vector.shape_cast %reshape3A_156 : vector<16x1xi32> to vector<16xi32>
      %gather3A_158 = tpu.dynamic_gather %get3A_5[%gather3A_157] in [0] : vector<16xf32>, vector<16xi32> -> vector<16xf32>
      %mul3A_159 = arith.constant 16 : i32
      %mul3A_160 = arith.muli %scan3A_144, %mul3A_159 : i32
      %swap3A_161 = arith.index_cast %mul3A_160 : i32 to index
      %swap3A_162 = tpu.vector_load %arg5[%swap3A_161] {strides = array<i32>} : memref<4096xf32, #tpu.memory_space<vmem>>, vector<16xf32>,
      %swap3A_163 = vector.shape_cast %swap3A_162 : vector<16xf32> to vector<16xf32>
      %swap3A_164 = vector.shape_cast %gather3A_158 : vector<16xf32> to vector<16xf32>
      tpu.vector_store %arg5[%swap3A_161], %swap3A_164 {strides = array<i32>} : memref<4096xf32, #tpu.memory_space<vmem>>, vector<16xf32>,
      %scan3A_165 = arith.constant 7 : i32
      %scan3A_166 = arith.addi %scan3A_19, %scan3A_165 : i32
      %mul3A_167 = arith.constant 16 : i32
      %mul3A_168 = arith.muli %scan3A_166, %mul3A_167 : i32
      %iota3A_169 = tpu.iota {dimensions = array<i32: 0>} : vector<16xi32>
      %add3A_170 = vector.broadcast %mul3A_168 : i32 to vector<16xi32>
      %add3A_171 = arith.addi %add3A_170, %iota3A_169 : vector<16xi32>
      %sub3A_172 = arith.constant 2048 : i32
      %sub3A_173 = vector.broadcast %sub3A_172 : i32 to vector<16xi32>
      %sub3A_174 = arith.subi %sub3A_173, %add3A_171 : vector<16xi32>
      %min3A_175 = arith.constant 15 : i32
      %min3A_176 = vector.broadcast %min3A_175 : i32 to vector<16xi32>
      %min3A_177 = arith.minsi %sub3A_174, %min3A_176 : vector<16xi32>
      %reshape3A_178 = vector.shape_cast %min3A_177 : vector<16xi32> to vector<16x1xi32>
      %gather3A_179 = vector.shape_cast %reshape3A_178 : vector<16x1xi32> to vector<16xi32>
      %gather3A_180 = tpu.dynamic_gather %get3A_5[%gather3A_179] in [0] : vector<16xf32>, vector<16xi32> -> vector<16xf32>
      %mul3A_181 = arith.constant 16 : i32
      %mul3A_182 = arith.muli %scan3A_166, %mul3A_181 : i32
      %swap3A_183 = arith.index_cast %mul3A_182 : i32 to index
      %swap3A_184 = tpu.vector_load %arg5[%swap3A_183] {strides = array<i32>} : memref<4096xf32, #tpu.memory_space<vmem>>, vector<16xf32>,
      %swap3A_185 = vector.shape_cast %swap3A_184 : vector<16xf32> to vector<16xf32>
      %swap3A_186 = vector.shape_cast %gather3A_180 : vector<16xf32> to vector<16xf32>
      tpu.vector_store %arg5[%swap3A_183], %swap3A_186 {strides = array<i32>} : memref<4096xf32, #tpu.memory_space<vmem>>, vector<16xf32>,
    }
    %scan3A_10 = arith.constant 128 : i32
    %scan3A_11 = arith.constant 0 : i32
    %scan3A_12 = arith.constant 0 : i32
    %scan3A_13 = arith.constant 128 : i32
    %scan3A_14 = arith.addi %scan3A_12, %scan3A_13 : i32
    %scan3A_15 = arith.constant 8 : i32
    scf.for %scan3A_19 = %scan3A_12 to %scan3A_14 step %scan3A_15  : i32 {
      %mul3A_20 = arith.constant 16 : i32
      %mul3A_21 = arith.muli %scan3A_19, %mul3A_20 : i32
      %iota3A = tpu.iota {dimensions = array<i32: 0>} : vector<16xi32>
      %add3A = vector.broadcast %mul3A_21 : i32 to vector<16xi32>
      %add3A_22 = arith.addi %add3A, %iota3A : vector<16xi32>
      %broadcast_in_dim3A = arith.constant 0 : i32
      %broadcast_in_dim3A_23 = vector.broadcast %broadcast_in_dim3A : i32 to vector<16xi32>
      %sub3A = arith.constant 18 : i32
      %sub3A_24 = vector.broadcast %sub3A : i32 to vector<16xi32>
      %sub3A_25 = arith.subi %add3A_22, %sub3A_24 : vector<16xi32>
      %max3A = arith.constant 0 : i32
      %max3A_26 = vector.broadcast %max3A : i32 to vector<16xi32>
      %max3A_27 = arith.maxsi %sub3A_25, %max3A_26 : vector<16xi32>
      %min3A = arith.constant 1 : i32
      %min3A_28 = vector.broadcast %min3A : i32 to vector<16xi32>
      %min3A_29 = arith.minsi %max3A_27, %min3A_28 : vector<16xi32>
      %add3A_30 = arith.addi %broadcast_in_dim3A_23, %min3A_29 : vector<16xi32>
      %sub3A_31 = arith.constant 20 : i32
      %sub3A_32 = vector.broadcast %sub3A_31 : i32 to vector<16xi32>
      %sub3A_33 = arith.subi %add3A_22, %sub3A_32 : vector<16xi32>
      %max3A_34 = arith.constant 0 : i32
      %max3A_35 = vector.broadcast %max3A_34 : i32 to vector<16xi32>
      %max3A_36 = arith.maxsi %sub3A_33, %max3A_35 : vector<16xi32>
      %min3A_37 = arith.constant 1 : i32
      %min3A_38 = vector.broadcast %min3A_37 : i32 to vector<16xi32>
      %min3A_39 = arith.minsi %max3A_36, %min3A_38 : vector<16xi32>
      %add3A_40 = arith.addi %add3A_30, %min3A_39 : vector<16xi32>
      %sub3A_41 = arith.constant 23 : i32
      %sub3A_42 = vector.broadcast %sub3A_41 : i32 to vector<16xi32>
      %sub3A_43 = arith.subi %add3A_22, %sub3A_42 : vector<16xi32>
      %max3A_44 = arith.constant 0 : i32
      %max3A_45 = vector.broadcast %max3A_44 : i32 to vector<16xi32>
      %max3A_46 = arith.maxsi %sub3A_43, %max3A_45 : vector<16xi32>
      %min3A_47 = arith.constant 1 : i32
      %min3A_48 = vector.broadcast %min3A_47 : i32 to vector<16xi32>
      %min3A_49 = arith.minsi %max3A_46, %min3A_48 : vector<16xi32>
      %add3A_50 = arith.addi %add3A_40, %min3A_49 : vector<16xi32>
      %sub3A_51 = arith.constant 26 : i32
      %sub3A_52 = vector.broadcast %sub3A_51 : i32 to vector<16xi32>
      %sub3A_53 = arith.subi %add3A_22, %sub3A_52 : vector<16xi32>
      %max3A_54 = arith.constant 0 : i32
      %max3A_55 = vector.broadcast %max3A_54 : i32 to vector<16xi32>
      %max3A_56 = arith.maxsi %sub3A_53, %max3A_55 : vector<16xi32>
      %min3A_57 = arith.constant 1 : i32
      %min3A_58 = vector.broadcast %min3A_57 : i32 to vector<16xi32>
      %min3A_59 = arith.minsi %max3A_56, %min3A_58 : vector<16xi32>
      %add3A_60 = arith.addi %add3A_50, %min3A_59 : vector<16xi32>
      %sub3A_61 = arith.constant 30 : i32
      %sub3A_62 = vector.broadcast %sub3A_61 : i32 to vector<16xi32>
      %sub3A_63 = arith.subi %add3A_22, %sub3A_62 : vector<16xi32>
      %max3A_64 = arith.constant 0 : i32
      %max3A_65 = vector.broadcast %max3A_64 : i32 to vector<16xi32>
      %max3A_66 = arith.maxsi %sub3A_63, %max3A_65 : vector<16xi32>
      %min3A_67 = arith.constant 1 : i32
      %min3A_68 = vector.broadcast %min3A_67 : i32 to vector<16xi32>
      %min3A_69 = arith.minsi %max3A_66, %min3A_68 : vector<16xi32>
      %add3A_70 = arith.addi %add3A_60, %min3A_69 : vector<16xi32>
      %sub3A_71 = arith.constant 34 : i32
      %sub3A_72 = vector.broadcast %sub3A_71 : i32 to vector<16xi32>
      %sub3A_73 = arith.subi %add3A_22, %sub3A_72 : vector<16xi32>
      %max3A_74 = arith.constant 0 : i32
      %max3A_75 = vector.broadcast %max3A_74 : i32 to vector<16xi32>
      %max3A_76 = arith.maxsi %sub3A_73, %max3A_75 : vector<16xi32>
      %min3A_77 = arith.constant 1 : i32
      %min3A_78 = vector.broadcast %min3A_77 : i32 to vector<16xi32>
      %min3A_79 = arith.minsi %max3A_76, %min3A_78 : vector<16xi32>
      %add3A_80 = arith.addi %add3A_70, %min3A_79 : vector<16xi32>
      %sub3A_81 = arith.constant 39 : i32
      %sub3A_82 = vector.broadcast %sub3A_81 : i32 to vector<16xi32>
      %sub3A_83 = arith.subi %add3A_22, %sub3A_82 : vector<16xi32>
      %max3A_84 = arith.constant 0 : i32
      %max3A_85 = vector.broadcast %max3A_84 : i32 to vector<16xi32>
      %max3A_86 = arith.maxsi %sub3A_83, %max3A_85 : vector<16xi32>
      %min3A_87 = arith.constant 1 : i32
      %min3A_88 = vector.broadcast %min3A_87 : i32 to vector<16xi32>
      %min3A_89 = arith.minsi %max3A_86, %min3A_88 : vector<16xi32>
      %add3A_90 = arith.addi %add3A_80, %min3A_89 : vector<16xi32>
      %sub3A_91 = arith.constant 45 : i32
      %sub3A_92 = vector.broadcast %sub3A_91 : i32 to vector<16xi32>
      %sub3A_93 = arith.subi %add3A_22, %sub3A_92 : vector<16xi32>
      %max3A_94 = arith.constant 0 : i32
      %max3A_95 = vector.broadcast %max3A_94 : i32 to vector<16xi32>
      %max3A_96 = arith.maxsi %sub3A_93, %max3A_95 : vector<16xi32>
      %min3A_97 = arith.constant 1 : i32
      %min3A_98 = vector.broadcast %min3A_97 : i32 to vector<16xi32>
      %min3A_99 = arith.minsi %max3A_96, %min3A_98 : vector<16xi32>
      %add3A_100 = arith.addi %add3A_90, %min3A_99 : vector<16xi32>
      %sub3A_101 = arith.constant 51 : i32
      %sub3A_102 = vector.broadcast %sub3A_101 : i32 to vector<16xi32>
      %sub3A_103 = arith.subi %add3A_22, %sub3A_102 : vector<16xi32>
      %max3A_104 = arith.constant 0 : i32
      %max3A_105 = vector.broadcast %max3A_104 : i32 to vector<16xi32>
      %max3A_106 = arith.maxsi %sub3A_103, %max3A_105 : vector<16xi32>
      %min3A_107 = arith.constant 1 : i32
      %min3A_108 = vector.broadcast %min3A_107 : i32 to vector<16xi32>
      %min3A_109 = arith.minsi %max3A_106, %min3A_108 : vector<16xi32>
      %add3A_110 = arith.addi %add3A_100, %min3A_109 : vector<16xi32>
      %sub3A_111 = arith.constant 58 : i32
      %sub3A_112 = vector.broadcast %sub3A_111 : i32 to vector<16xi32>
      %sub3A_113 = arith.subi %add3A_22, %sub3A_112 : vector<16xi32>
      %max3A_114 = arith.constant 0 : i32
      %max3A_115 = vector.broadcast %max3A_114 : i32 to vector<16xi32>
      %max3A_116 = arith.maxsi %sub3A_113, %max3A_115 : vector<16xi32>
      %min3A_117 = arith.constant 1 : i32
      %min3A_118 = vector.broadcast %min3A_117 : i32 to vector<16xi32>
      %min3A_119 = arith.minsi %max3A_116, %min3A_118 : vector<16xi32>
      %add3A_120 = arith.addi %add3A_110, %min3A_119 : vector<16xi32>
      %sub3A_121 = arith.constant 66 : i32
      %sub3A_122 = vector.broadcast %sub3A_121 : i32 to vector<16xi32>
      %sub3A_123 = arith.subi %add3A_22, %sub3A_122 : vector<16xi32>
      %max3A_124 = arith.constant 0 : i32
      %max3A_125 = vector.broadcast %max3A_124 : i32 to vector<16xi32>
      %max3A_126 = arith.maxsi %sub3A_123, %max3A_125 : vector<16xi32>
      %min3A_127 = arith.constant 1 : i32
      %min3A_128 = vector.broadcast %min3A_127 : i32 to vector<16xi32>
      %min3A_129 = arith.minsi %max3A_126, %min3A_128 : vector<16xi32>
      %add3A_130 = arith.addi %add3A_120, %min3A_129 : vector<16xi32>
      %sub3A_131 = arith.constant 76 : i32
      %sub3A_132 = vector.broadcast %sub3A_131 : i32 to vector<16xi32>
      %sub3A_133 = arith.subi %add3A_22, %sub3A_132 : vector<16xi32>
      %max3A_134 = arith.constant 0 : i32
      %max3A_135 = vector.broadcast %max3A_134 : i32 to vector<16xi32>
      %max3A_136 = arith.maxsi %sub3A_133, %max3A_135 : vector<16xi32>
      %min3A_137 = arith.constant 1 : i32
      %min3A_138 = vector.broadcast %min3A_137 : i32 to vector<16xi32>
      %min3A_139 = arith.minsi %max3A_136, %min3A_138 : vector<16xi32>
      %add3A_140 = arith.addi %add3A_130, %min3A_139 : vector<16xi32>
      %sub3A_141 = arith.constant 86 : i32
      %sub3A_142 = vector.broadcast %sub3A_141 : i32 to vector<16xi32>
      %sub3A_143 = arith.subi %add3A_22, %sub3A_142 : vector<16xi32>
      %max3A_144 = arith.constant 0 : i32
      %max3A_145 = vector.broadcast %max3A_144 : i32 to vector<16xi32>
      %max3A_146 = arith.maxsi %sub3A_143, %max3A_145 : vector<16xi32>
      %min3A_147 = arith.constant 1 : i32
      %min3A_148 = vector.broadcast %min3A_147 : i32 to vector<16xi32>
      %min3A_149 = arith.minsi %max3A_146, %min3A_148 : vector<16xi32>
      %add3A_150 = arith.addi %add3A_140, %min3A_149 : vector<16xi32>
      %sub3A_151 = arith.constant 98 : i32
      %sub3A_152 = vector.broadcast %sub3A_151 : i32 to vector<16xi32>
      %sub3A_153 = arith.subi %add3A_22, %sub3A_152 : vector<16xi32>
      %max3A_154 = arith.constant 0 : i32
      %max3A_155 = vector.broadcast %max3A_154 : i32 to vector<16xi32>
      %max3A_156 = arith.maxsi %sub3A_153, %max3A_155 : vector<16xi32>
      %min3A_157 = arith.constant 1 : i32
      %min3A_158 = vector.broadcast %min3A_157 : i32 to vector<16xi32>
      %min3A_159 = arith.minsi %max3A_156, %min3A_158 : vector<16xi32>
      %add3A_160 = arith.addi %add3A_150, %min3A_159 : vector<16xi32>
      %sub3A_161 = arith.constant 112 : i32
      %sub3A_162 = vector.broadcast %sub3A_161 : i32 to vector<16xi32>
      %sub3A_163 = arith.subi %add3A_22, %sub3A_162 : vector<16xi32>
      %max3A_164 = arith.constant 0 : i32
      %max3A_165 = vector.broadcast %max3A_164 : i32 to vector<16xi32>
      %max3A_166 = arith.maxsi %sub3A_163, %max3A_165 : vector<16xi32>
      %min3A_167 = arith.constant 1 : i32
      %min3A_168 = vector.broadcast %min3A_167 : i32 to vector<16xi32>
      %min3A_169 = arith.minsi %max3A_166, %min3A_168 : vector<16xi32>
      %add3A_170 = arith.addi %add3A_160, %min3A_169 : vector<16xi32>
      %min3A_171 = arith.constant 15 : i32
      %min3A_172 = vector.broadcast %min3A_171 : i32 to vector<16xi32>
      %min3A_173 = arith.minsi %add3A_22, %min3A_172 : vector<16xi32>
      %reshape3A = vector.shape_cast %min3A_173 : vector<16xi32> to vector<16x1xi32>
      %gather3A = vector.shape_cast %reshape3A : vector<16x1xi32> to vector<16xi32>
      %gather3A_174 = tpu.dynamic_gather %get3A_2[%gather3A] in [0] : vector<16xf32>, vector<16xi32> -> vector<16xf32>
      %reshape3A_175 = vector.shape_cast %add3A_170 : vector<16xi32> to vector<16x1xi32>
      %gather3A_176 = vector.shape_cast %reshape3A_175 : vector<16x1xi32> to vector<16xi32>
      %gather3A_177 = tpu.dynamic_gather %get3A_5[%gather3A_176] in [0] : vector<16xf32>, vector<16xi32> -> vector<16xf32>
      %ge3A = arith.constant 1 : i32
      %ge3A_178 = vector.broadcast %ge3A : i32 to vector<16xi32>
      %ge3A_179 = arith.cmpi sge, %add3A_22, %ge3A_178 : vector<16xi32>
      %lt3A = arith.constant 16 : i32
      %lt3A_180 = vector.broadcast %lt3A : i32 to vector<16xi32>
      %lt3A_181 = arith.cmpi slt, %add3A_22, %lt3A_180 : vector<16xi32>
      %and3A = arith.andi %ge3A_179, %lt3A_181 : vector<16xi1>
      %select_n3A = arith.select %and3A, %gather3A_174, %gather3A_177 : vector<16xi1>, vector<16xf32>
      %mul3A_182 = arith.constant 16 : i32
      %mul3A_183 = arith.muli %scan3A_19, %mul3A_182 : i32
      %add3A_184 = arith.constant 2048 : i32
      %add3A_185 = arith.addi %add3A_184, %mul3A_183 : i32
      %swap3A = arith.index_cast %add3A_185 : i32 to index
      %swap3A_186 = tpu.vector_load %arg5[%swap3A] {strides = array<i32>} : memref<4096xf32, #tpu.memory_space<vmem>>, vector<16xf32>,
      %swap3A_187 = vector.shape_cast %swap3A_186 : vector<16xf32> to vector<16xf32>
      %swap3A_188 = vector.shape_cast %select_n3A : vector<16xf32> to vector<16xf32>
      tpu.vector_store %arg5[%swap3A], %swap3A_188 {strides = array<i32>} : memref<4096xf32, #tpu.memory_space<vmem>>, vector<16xf32>,
      %scan3A_189 = arith.constant 1 : i32
      %scan3A_190 = arith.addi %scan3A_19, %scan3A_189 : i32
      %mul3A_191 = arith.constant 16 : i32
      %mul3A_192 = arith.muli %scan3A_190, %mul3A_191 : i32
      %iota3A_193 = tpu.iota {dimensions = array<i32: 0>} : vector<16xi32>
      %add3A_194 = vector.broadcast %mul3A_192 : i32 to vector<16xi32>
      %add3A_195 = arith.addi %add3A_194, %iota3A_193 : vector<16xi32>
      %broadcast_in_dim3A_196 = arith.constant 0 : i32
      %broadcast_in_dim3A_197 = vector.broadcast %broadcast_in_dim3A_196 : i32 to vector<16xi32>
      %sub3A_198 = arith.constant 18 : i32
      %sub3A_199 = vector.broadcast %sub3A_198 : i32 to vector<16xi32>
      %sub3A_200 = arith.subi %add3A_195, %sub3A_199 : vector<16xi32>
      %max3A_201 = arith.constant 0 : i32
      %max3A_202 = vector.broadcast %max3A_201 : i32 to vector<16xi32>
      %max3A_203 = arith.maxsi %sub3A_200, %max3A_202 : vector<16xi32>
      %min3A_204 = arith.constant 1 : i32
      %min3A_205 = vector.broadcast %min3A_204 : i32 to vector<16xi32>
      %min3A_206 = arith.minsi %max3A_203, %min3A_205 : vector<16xi32>
      %add3A_207 = arith.addi %broadcast_in_dim3A_197, %min3A_206 : vector<16xi32>
      %sub3A_208 = arith.constant 20 : i32
      %sub3A_209 = vector.broadcast %sub3A_208 : i32 to vector<16xi32>
      %sub3A_210 = arith.subi %add3A_195, %sub3A_209 : vector<16xi32>
      %max3A_211 = arith.constant 0 : i32
      %max3A_212 = vector.broadcast %max3A_211 : i32 to vector<16xi32>
      %max3A_213 = arith.maxsi %sub3A_210, %max3A_212 : vector<16xi32>
      %min3A_214 = arith.constant 1 : i32
      %min3A_215 = vector.broadcast %min3A_214 : i32 to vector<16xi32>
      %min3A_216 = arith.minsi %max3A_213, %min3A_215 : vector<16xi32>
      %add3A_217 = arith.addi %add3A_207, %min3A_216 : vector<16xi32>
      %sub3A_218 = arith.constant 23 : i32
      %sub3A_219 = vector.broadcast %sub3A_218 : i32 to vector<16xi32>
      %sub3A_220 = arith.subi %add3A_195, %sub3A_219 : vector<16xi32>
      %max3A_221 = arith.constant 0 : i32
      %max3A_222 = vector.broadcast %max3A_221 : i32 to vector<16xi32>
      %max3A_223 = arith.maxsi %sub3A_220, %max3A_222 : vector<16xi32>
      %min3A_224 = arith.constant 1 : i32
      %min3A_225 = vector.broadcast %min3A_224 : i32 to vector<16xi32>
      %min3A_226 = arith.minsi %max3A_223, %min3A_225 : vector<16xi32>
      %add3A_227 = arith.addi %add3A_217, %min3A_226 : vector<16xi32>
      %sub3A_228 = arith.constant 26 : i32
      %sub3A_229 = vector.broadcast %sub3A_228 : i32 to vector<16xi32>
      %sub3A_230 = arith.subi %add3A_195, %sub3A_229 : vector<16xi32>
      %max3A_231 = arith.constant 0 : i32
      %max3A_232 = vector.broadcast %max3A_231 : i32 to vector<16xi32>
      %max3A_233 = arith.maxsi %sub3A_230, %max3A_232 : vector<16xi32>
      %min3A_234 = arith.constant 1 : i32
      %min3A_235 = vector.broadcast %min3A_234 : i32 to vector<16xi32>
      %min3A_236 = arith.minsi %max3A_233, %min3A_235 : vector<16xi32>
      %add3A_237 = arith.addi %add3A_227, %min3A_236 : vector<16xi32>
      %sub3A_238 = arith.constant 30 : i32
      %sub3A_239 = vector.broadcast %sub3A_238 : i32 to vector<16xi32>
      %sub3A_240 = arith.subi %add3A_195, %sub3A_239 : vector<16xi32>
      %max3A_241 = arith.constant 0 : i32
      %max3A_242 = vector.broadcast %max3A_241 : i32 to vector<16xi32>
      %max3A_243 = arith.maxsi %sub3A_240, %max3A_242 : vector<16xi32>
      %min3A_244 = arith.constant 1 : i32
      %min3A_245 = vector.broadcast %min3A_244 : i32 to vector<16xi32>
      %min3A_246 = arith.minsi %max3A_243, %min3A_245 : vector<16xi32>
      %add3A_247 = arith.addi %add3A_237, %min3A_246 : vector<16xi32>
      %sub3A_248 = arith.constant 34 : i32
      %sub3A_249 = vector.broadcast %sub3A_248 : i32 to vector<16xi32>
      %sub3A_250 = arith.subi %add3A_195, %sub3A_249 : vector<16xi32>
      %max3A_251 = arith.constant 0 : i32
      %max3A_252 = vector.broadcast %max3A_251 : i32 to vector<16xi32>
      %max3A_253 = arith.maxsi %sub3A_250, %max3A_252 : vector<16xi32>
      %min3A_254 = arith.constant 1 : i32
      %min3A_255 = vector.broadcast %min3A_254 : i32 to vector<16xi32>
      %min3A_256 = arith.minsi %max3A_253, %min3A_255 : vector<16xi32>
      %add3A_257 = arith.addi %add3A_247, %min3A_256 : vector<16xi32>
      %sub3A_258 = arith.constant 39 : i32
      %sub3A_259 = vector.broadcast %sub3A_258 : i32 to vector<16xi32>
      %sub3A_260 = arith.subi %add3A_195, %sub3A_259 : vector<16xi32>
      %max3A_261 = arith.constant 0 : i32
      %max3A_262 = vector.broadcast %max3A_261 : i32 to vector<16xi32>
      %max3A_263 = arith.maxsi %sub3A_260, %max3A_262 : vector<16xi32>
      %min3A_264 = arith.constant 1 : i32
      %min3A_265 = vector.broadcast %min3A_264 : i32 to vector<16xi32>
      %min3A_266 = arith.minsi %max3A_263, %min3A_265 : vector<16xi32>
      %add3A_267 = arith.addi %add3A_257, %min3A_266 : vector<16xi32>
      %sub3A_268 = arith.constant 45 : i32
      %sub3A_269 = vector.broadcast %sub3A_268 : i32 to vector<16xi32>
      %sub3A_270 = arith.subi %add3A_195, %sub3A_269 : vector<16xi32>
      %max3A_271 = arith.constant 0 : i32
      %max3A_272 = vector.broadcast %max3A_271 : i32 to vector<16xi32>
      %max3A_273 = arith.maxsi %sub3A_270, %max3A_272 : vector<16xi32>
      %min3A_274 = arith.constant 1 : i32
      %min3A_275 = vector.broadcast %min3A_274 : i32 to vector<16xi32>
      %min3A_276 = arith.minsi %max3A_273, %min3A_275 : vector<16xi32>
      %add3A_277 = arith.addi %add3A_267, %min3A_276 : vector<16xi32>
      %sub3A_278 = arith.constant 51 : i32
      %sub3A_279 = vector.broadcast %sub3A_278 : i32 to vector<16xi32>
      %sub3A_280 = arith.subi %add3A_195, %sub3A_279 : vector<16xi32>
      %max3A_281 = arith.constant 0 : i32
      %max3A_282 = vector.broadcast %max3A_281 : i32 to vector<16xi32>
      %max3A_283 = arith.maxsi %sub3A_280, %max3A_282 : vector<16xi32>
      %min3A_284 = arith.constant 1 : i32
      %min3A_285 = vector.broadcast %min3A_284 : i32 to vector<16xi32>
      %min3A_286 = arith.minsi %max3A_283, %min3A_285 : vector<16xi32>
      %add3A_287 = arith.addi %add3A_277, %min3A_286 : vector<16xi32>
      %sub3A_288 = arith.constant 58 : i32
      %sub3A_289 = vector.broadcast %sub3A_288 : i32 to vector<16xi32>
      %sub3A_290 = arith.subi %add3A_195, %sub3A_289 : vector<16xi32>
      %max3A_291 = arith.constant 0 : i32
      %max3A_292 = vector.broadcast %max3A_291 : i32 to vector<16xi32>
      %max3A_293 = arith.maxsi %sub3A_290, %max3A_292 : vector<16xi32>
      %min3A_294 = arith.constant 1 : i32
      %min3A_295 = vector.broadcast %min3A_294 : i32 to vector<16xi32>
      %min3A_296 = arith.minsi %max3A_293, %min3A_295 : vector<16xi32>
      %add3A_297 = arith.addi %add3A_287, %min3A_296 : vector<16xi32>
      %sub3A_298 = arith.constant 66 : i32
      %sub3A_299 = vector.broadcast %sub3A_298 : i32 to vector<16xi32>
      %sub3A_300 = arith.subi %add3A_195, %sub3A_299 : vector<16xi32>
      %max3A_301 = arith.constant 0 : i32
      %max3A_302 = vector.broadcast %max3A_301 : i32 to vector<16xi32>
      %max3A_303 = arith.maxsi %sub3A_300, %max3A_302 : vector<16xi32>
      %min3A_304 = arith.constant 1 : i32
      %min3A_305 = vector.broadcast %min3A_304 : i32 to vector<16xi32>
      %min3A_306 = arith.minsi %max3A_303, %min3A_305 : vector<16xi32>
      %add3A_307 = arith.addi %add3A_297, %min3A_306 : vector<16xi32>
      %sub3A_308 = arith.constant 76 : i32
      %sub3A_309 = vector.broadcast %sub3A_308 : i32 to vector<16xi32>
      %sub3A_310 = arith.subi %add3A_195, %sub3A_309 : vector<16xi32>
      %max3A_311 = arith.constant 0 : i32
      %max3A_312 = vector.broadcast %max3A_311 : i32 to vector<16xi32>
      %max3A_313 = arith.maxsi %sub3A_310, %max3A_312 : vector<16xi32>
      %min3A_314 = arith.constant 1 : i32
      %min3A_315 = vector.broadcast %min3A_314 : i32 to vector<16xi32>
      %min3A_316 = arith.minsi %max3A_313, %min3A_315 : vector<16xi32>
      %add3A_317 = arith.addi %add3A_307, %min3A_316 : vector<16xi32>
      %sub3A_318 = arith.constant 86 : i32
      %sub3A_319 = vector.broadcast %sub3A_318 : i32 to vector<16xi32>
      %sub3A_320 = arith.subi %add3A_195, %sub3A_319 : vector<16xi32>
      %max3A_321 = arith.constant 0 : i32
      %max3A_322 = vector.broadcast %max3A_321 : i32 to vector<16xi32>
      %max3A_323 = arith.maxsi %sub3A_320, %max3A_322 : vector<16xi32>
      %min3A_324 = arith.constant 1 : i32
      %min3A_325 = vector.broadcast %min3A_324 : i32 to vector<16xi32>
      %min3A_326 = arith.minsi %max3A_323, %min3A_325 : vector<16xi32>
      %add3A_327 = arith.addi %add3A_317, %min3A_326 : vector<16xi32>
      %sub3A_328 = arith.constant 98 : i32
      %sub3A_329 = vector.broadcast %sub3A_328 : i32 to vector<16xi32>
      %sub3A_330 = arith.subi %add3A_195, %sub3A_329 : vector<16xi32>
      %max3A_331 = arith.constant 0 : i32
      %max3A_332 = vector.broadcast %max3A_331 : i32 to vector<16xi32>
      %max3A_333 = arith.maxsi %sub3A_330, %max3A_332 : vector<16xi32>
      %min3A_334 = arith.constant 1 : i32
      %min3A_335 = vector.broadcast %min3A_334 : i32 to vector<16xi32>
      %min3A_336 = arith.minsi %max3A_333, %min3A_335 : vector<16xi32>
      %add3A_337 = arith.addi %add3A_327, %min3A_336 : vector<16xi32>
      %sub3A_338 = arith.constant 112 : i32
      %sub3A_339 = vector.broadcast %sub3A_338 : i32 to vector<16xi32>
      %sub3A_340 = arith.subi %add3A_195, %sub3A_339 : vector<16xi32>
      %max3A_341 = arith.constant 0 : i32
      %max3A_342 = vector.broadcast %max3A_341 : i32 to vector<16xi32>
      %max3A_343 = arith.maxsi %sub3A_340, %max3A_342 : vector<16xi32>
      %min3A_344 = arith.constant 1 : i32
      %min3A_345 = vector.broadcast %min3A_344 : i32 to vector<16xi32>
      %min3A_346 = arith.minsi %max3A_343, %min3A_345 : vector<16xi32>
      %add3A_347 = arith.addi %add3A_337, %min3A_346 : vector<16xi32>
      %min3A_348 = arith.constant 15 : i32
      %min3A_349 = vector.broadcast %min3A_348 : i32 to vector<16xi32>
      %min3A_350 = arith.minsi %add3A_195, %min3A_349 : vector<16xi32>
      %reshape3A_351 = vector.shape_cast %min3A_350 : vector<16xi32> to vector<16x1xi32>
      %gather3A_352 = vector.shape_cast %reshape3A_351 : vector<16x1xi32> to vector<16xi32>
      %gather3A_353 = tpu.dynamic_gather %get3A_2[%gather3A_352] in [0] : vector<16xf32>, vector<16xi32> -> vector<16xf32>
      %reshape3A_354 = vector.shape_cast %add3A_347 : vector<16xi32> to vector<16x1xi32>
      %gather3A_355 = vector.shape_cast %reshape3A_354 : vector<16x1xi32> to vector<16xi32>
      %gather3A_356 = tpu.dynamic_gather %get3A_5[%gather3A_355] in [0] : vector<16xf32>, vector<16xi32> -> vector<16xf32>
      %ge3A_357 = arith.constant 1 : i32
      %ge3A_358 = vector.broadcast %ge3A_357 : i32 to vector<16xi32>
      %ge3A_359 = arith.cmpi sge, %add3A_195, %ge3A_358 : vector<16xi32>
      %lt3A_360 = arith.constant 16 : i32
      %lt3A_361 = vector.broadcast %lt3A_360 : i32 to vector<16xi32>
      %lt3A_362 = arith.cmpi slt, %add3A_195, %lt3A_361 : vector<16xi32>
      %and3A_363 = arith.andi %ge3A_359, %lt3A_362 : vector<16xi1>
      %select_n3A_364 = arith.select %and3A_363, %gather3A_353, %gather3A_356 : vector<16xi1>, vector<16xf32>
      %mul3A_365 = arith.constant 16 : i32
      %mul3A_366 = arith.muli %scan3A_190, %mul3A_365 : i32
      %add3A_367 = arith.constant 2048 : i32
      %add3A_368 = arith.addi %add3A_367, %mul3A_366 : i32
      %swap3A_369 = arith.index_cast %add3A_368 : i32 to index
      %swap3A_370 = tpu.vector_load %arg5[%swap3A_369] {strides = array<i32>} : memref<4096xf32, #tpu.memory_space<vmem>>, vector<16xf32>,
      %swap3A_371 = vector.shape_cast %swap3A_370 : vector<16xf32> to vector<16xf32>
      %swap3A_372 = vector.shape_cast %select_n3A_364 : vector<16xf32> to vector<16xf32>
      tpu.vector_store %arg5[%swap3A_369], %swap3A_372 {strides = array<i32>} : memref<4096xf32, #tpu.memory_space<vmem>>, vector<16xf32>,
      %scan3A_373 = arith.constant 2 : i32
      %scan3A_374 = arith.addi %scan3A_19, %scan3A_373 : i32
      %mul3A_375 = arith.constant 16 : i32
      %mul3A_376 = arith.muli %scan3A_374, %mul3A_375 : i32
      %iota3A_377 = tpu.iota {dimensions = array<i32: 0>} : vector<16xi32>
      %add3A_378 = vector.broadcast %mul3A_376 : i32 to vector<16xi32>
      %add3A_379 = arith.addi %add3A_378, %iota3A_377 : vector<16xi32>
      %broadcast_in_dim3A_380 = arith.constant 0 : i32
      %broadcast_in_dim3A_381 = vector.broadcast %broadcast_in_dim3A_380 : i32 to vector<16xi32>
      %sub3A_382 = arith.constant 18 : i32
      %sub3A_383 = vector.broadcast %sub3A_382 : i32 to vector<16xi32>
      %sub3A_384 = arith.subi %add3A_379, %sub3A_383 : vector<16xi32>
      %max3A_385 = arith.constant 0 : i32
      %max3A_386 = vector.broadcast %max3A_385 : i32 to vector<16xi32>
      %max3A_387 = arith.maxsi %sub3A_384, %max3A_386 : vector<16xi32>
      %min3A_388 = arith.constant 1 : i32
      %min3A_389 = vector.broadcast %min3A_388 : i32 to vector<16xi32>
      %min3A_390 = arith.minsi %max3A_387, %min3A_389 : vector<16xi32>
      %add3A_391 = arith.addi %broadcast_in_dim3A_381, %min3A_390 : vector<16xi32>
      %sub3A_392 = arith.constant 20 : i32
      %sub3A_393 = vector.broadcast %sub3A_392 : i32 to vector<16xi32>
      %sub3A_394 = arith.subi %add3A_379, %sub3A_393 : vector<16xi32>
      %max3A_395 = arith.constant 0 : i32
      %max3A_396 = vector.broadcast %max3A_395 : i32 to vector<16xi32>
      %max3A_397 = arith.maxsi %sub3A_394, %max3A_396 : vector<16xi32>
      %min3A_398 = arith.constant 1 : i32
      %min3A_399 = vector.broadcast %min3A_398 : i32 to vector<16xi32>
      %min3A_400 = arith.minsi %max3A_397, %min3A_399 : vector<16xi32>
      %add3A_401 = arith.addi %add3A_391, %min3A_400 : vector<16xi32>
      %sub3A_402 = arith.constant 23 : i32
      %sub3A_403 = vector.broadcast %sub3A_402 : i32 to vector<16xi32>
      %sub3A_404 = arith.subi %add3A_379, %sub3A_403 : vector<16xi32>
      %max3A_405 = arith.constant 0 : i32
      %max3A_406 = vector.broadcast %max3A_405 : i32 to vector<16xi32>
      %max3A_407 = arith.maxsi %sub3A_404, %max3A_406 : vector<16xi32>
      %min3A_408 = arith.constant 1 : i32
      %min3A_409 = vector.broadcast %min3A_408 : i32 to vector<16xi32>
      %min3A_410 = arith.minsi %max3A_407, %min3A_409 : vector<16xi32>
      %add3A_411 = arith.addi %add3A_401, %min3A_410 : vector<16xi32>
      %sub3A_412 = arith.constant 26 : i32
      %sub3A_413 = vector.broadcast %sub3A_412 : i32 to vector<16xi32>
      %sub3A_414 = arith.subi %add3A_379, %sub3A_413 : vector<16xi32>
      %max3A_415 = arith.constant 0 : i32
      %max3A_416 = vector.broadcast %max3A_415 : i32 to vector<16xi32>
      %max3A_417 = arith.maxsi %sub3A_414, %max3A_416 : vector<16xi32>
      %min3A_418 = arith.constant 1 : i32
      %min3A_419 = vector.broadcast %min3A_418 : i32 to vector<16xi32>
      %min3A_420 = arith.minsi %max3A_417, %min3A_419 : vector<16xi32>
      %add3A_421 = arith.addi %add3A_411, %min3A_420 : vector<16xi32>
      %sub3A_422 = arith.constant 30 : i32
      %sub3A_423 = vector.broadcast %sub3A_422 : i32 to vector<16xi32>
      %sub3A_424 = arith.subi %add3A_379, %sub3A_423 : vector<16xi32>
      %max3A_425 = arith.constant 0 : i32
      %max3A_426 = vector.broadcast %max3A_425 : i32 to vector<16xi32>
      %max3A_427 = arith.maxsi %sub3A_424, %max3A_426 : vector<16xi32>
      %min3A_428 = arith.constant 1 : i32
      %min3A_429 = vector.broadcast %min3A_428 : i32 to vector<16xi32>
      %min3A_430 = arith.minsi %max3A_427, %min3A_429 : vector<16xi32>
      %add3A_431 = arith.addi %add3A_421, %min3A_430 : vector<16xi32>
      %sub3A_432 = arith.constant 34 : i32
      %sub3A_433 = vector.broadcast %sub3A_432 : i32 to vector<16xi32>
      %sub3A_434 = arith.subi %add3A_379, %sub3A_433 : vector<16xi32>
      %max3A_435 = arith.constant 0 : i32
      %max3A_436 = vector.broadcast %max3A_435 : i32 to vector<16xi32>
      %max3A_437 = arith.maxsi %sub3A_434, %max3A_436 : vector<16xi32>
      %min3A_438 = arith.constant 1 : i32
      %min3A_439 = vector.broadcast %min3A_438 : i32 to vector<16xi32>
      %min3A_440 = arith.minsi %max3A_437, %min3A_439 : vector<16xi32>
      %add3A_441 = arith.addi %add3A_431, %min3A_440 : vector<16xi32>
      %sub3A_442 = arith.constant 39 : i32
      %sub3A_443 = vector.broadcast %sub3A_442 : i32 to vector<16xi32>
      %sub3A_444 = arith.subi %add3A_379, %sub3A_443 : vector<16xi32>
      %max3A_445 = arith.constant 0 : i32
      %max3A_446 = vector.broadcast %max3A_445 : i32 to vector<16xi32>
      %max3A_447 = arith.maxsi %sub3A_444, %max3A_446 : vector<16xi32>
      %min3A_448 = arith.constant 1 : i32
      %min3A_449 = vector.broadcast %min3A_448 : i32 to vector<16xi32>
      %min3A_450 = arith.minsi %max3A_447, %min3A_449 : vector<16xi32>
      %add3A_451 = arith.addi %add3A_441, %min3A_450 : vector<16xi32>
      %sub3A_452 = arith.constant 45 : i32
      %sub3A_453 = vector.broadcast %sub3A_452 : i32 to vector<16xi32>
      %sub3A_454 = arith.subi %add3A_379, %sub3A_453 : vector<16xi32>
      %max3A_455 = arith.constant 0 : i32
      %max3A_456 = vector.broadcast %max3A_455 : i32 to vector<16xi32>
      %max3A_457 = arith.maxsi %sub3A_454, %max3A_456 : vector<16xi32>
      %min3A_458 = arith.constant 1 : i32
      %min3A_459 = vector.broadcast %min3A_458 : i32 to vector<16xi32>
      %min3A_460 = arith.minsi %max3A_457, %min3A_459 : vector<16xi32>
      %add3A_461 = arith.addi %add3A_451, %min3A_460 : vector<16xi32>
      %sub3A_462 = arith.constant 51 : i32
      %sub3A_463 = vector.broadcast %sub3A_462 : i32 to vector<16xi32>
      %sub3A_464 = arith.subi %add3A_379, %sub3A_463 : vector<16xi32>
      %max3A_465 = arith.constant 0 : i32
      %max3A_466 = vector.broadcast %max3A_465 : i32 to vector<16xi32>
      %max3A_467 = arith.maxsi %sub3A_464, %max3A_466 : vector<16xi32>
      %min3A_468 = arith.constant 1 : i32
      %min3A_469 = vector.broadcast %min3A_468 : i32 to vector<16xi32>
      %min3A_470 = arith.minsi %max3A_467, %min3A_469 : vector<16xi32>
      %add3A_471 = arith.addi %add3A_461, %min3A_470 : vector<16xi32>
      %sub3A_472 = arith.constant 58 : i32
      %sub3A_473 = vector.broadcast %sub3A_472 : i32 to vector<16xi32>
      %sub3A_474 = arith.subi %add3A_379, %sub3A_473 : vector<16xi32>
      %max3A_475 = arith.constant 0 : i32
      %max3A_476 = vector.broadcast %max3A_475 : i32 to vector<16xi32>
      %max3A_477 = arith.maxsi %sub3A_474, %max3A_476 : vector<16xi32>
      %min3A_478 = arith.constant 1 : i32
      %min3A_479 = vector.broadcast %min3A_478 : i32 to vector<16xi32>
      %min3A_480 = arith.minsi %max3A_477, %min3A_479 : vector<16xi32>
      %add3A_481 = arith.addi %add3A_471, %min3A_480 : vector<16xi32>
      %sub3A_482 = arith.constant 66 : i32
      %sub3A_483 = vector.broadcast %sub3A_482 : i32 to vector<16xi32>
      %sub3A_484 = arith.subi %add3A_379, %sub3A_483 : vector<16xi32>
      %max3A_485 = arith.constant 0 : i32
      %max3A_486 = vector.broadcast %max3A_485 : i32 to vector<16xi32>
      %max3A_487 = arith.maxsi %sub3A_484, %max3A_486 : vector<16xi32>
      %min3A_488 = arith.constant 1 : i32
      %min3A_489 = vector.broadcast %min3A_488 : i32 to vector<16xi32>
      %min3A_490 = arith.minsi %max3A_487, %min3A_489 : vector<16xi32>
      %add3A_491 = arith.addi %add3A_481, %min3A_490 : vector<16xi32>
      %sub3A_492 = arith.constant 76 : i32
      %sub3A_493 = vector.broadcast %sub3A_492 : i32 to vector<16xi32>
      %sub3A_494 = arith.subi %add3A_379, %sub3A_493 : vector<16xi32>
      %max3A_495 = arith.constant 0 : i32
      %max3A_496 = vector.broadcast %max3A_495 : i32 to vector<16xi32>
      %max3A_497 = arith.maxsi %sub3A_494, %max3A_496 : vector<16xi32>
      %min3A_498 = arith.constant 1 : i32
      %min3A_499 = vector.broadcast %min3A_498 : i32 to vector<16xi32>
      %min3A_500 = arith.minsi %max3A_497, %min3A_499 : vector<16xi32>
      %add3A_501 = arith.addi %add3A_491, %min3A_500 : vector<16xi32>
      %sub3A_502 = arith.constant 86 : i32
      %sub3A_503 = vector.broadcast %sub3A_502 : i32 to vector<16xi32>
      %sub3A_504 = arith.subi %add3A_379, %sub3A_503 : vector<16xi32>
      %max3A_505 = arith.constant 0 : i32
      %max3A_506 = vector.broadcast %max3A_505 : i32 to vector<16xi32>
      %max3A_507 = arith.maxsi %sub3A_504, %max3A_506 : vector<16xi32>
      %min3A_508 = arith.constant 1 : i32
      %min3A_509 = vector.broadcast %min3A_508 : i32 to vector<16xi32>
      %min3A_510 = arith.minsi %max3A_507, %min3A_509 : vector<16xi32>
      %add3A_511 = arith.addi %add3A_501, %min3A_510 : vector<16xi32>
      %sub3A_512 = arith.constant 98 : i32
      %sub3A_513 = vector.broadcast %sub3A_512 : i32 to vector<16xi32>
      %sub3A_514 = arith.subi %add3A_379, %sub3A_513 : vector<16xi32>
      %max3A_515 = arith.constant 0 : i32
      %max3A_516 = vector.broadcast %max3A_515 : i32 to vector<16xi32>
      %max3A_517 = arith.maxsi %sub3A_514, %max3A_516 : vector<16xi32>
      %min3A_518 = arith.constant 1 : i32
      %min3A_519 = vector.broadcast %min3A_518 : i32 to vector<16xi32>
      %min3A_520 = arith.minsi %max3A_517, %min3A_519 : vector<16xi32>
      %add3A_521 = arith.addi %add3A_511, %min3A_520 : vector<16xi32>
      %sub3A_522 = arith.constant 112 : i32
      %sub3A_523 = vector.broadcast %sub3A_522 : i32 to vector<16xi32>
      %sub3A_524 = arith.subi %add3A_379, %sub3A_523 : vector<16xi32>
      %max3A_525 = arith.constant 0 : i32
      %max3A_526 = vector.broadcast %max3A_525 : i32 to vector<16xi32>
      %max3A_527 = arith.maxsi %sub3A_524, %max3A_526 : vector<16xi32>
      %min3A_528 = arith.constant 1 : i32
      %min3A_529 = vector.broadcast %min3A_528 : i32 to vector<16xi32>
      %min3A_530 = arith.minsi %max3A_527, %min3A_529 : vector<16xi32>
      %add3A_531 = arith.addi %add3A_521, %min3A_530 : vector<16xi32>
      %min3A_532 = arith.constant 15 : i32
      %min3A_533 = vector.broadcast %min3A_532 : i32 to vector<16xi32>
      %min3A_534 = arith.minsi %add3A_379, %min3A_533 : vector<16xi32>
      %reshape3A_535 = vector.shape_cast %min3A_534 : vector<16xi32> to vector<16x1xi32>
      %gather3A_536 = vector.shape_cast %reshape3A_535 : vector<16x1xi32> to vector<16xi32>
      %gather3A_537 = tpu.dynamic_gather %get3A_2[%gather3A_536] in [0] : vector<16xf32>, vector<16xi32> -> vector<16xf32>
      %reshape3A_538 = vector.shape_cast %add3A_531 : vector<16xi32> to vector<16x1xi32>
      %gather3A_539 = vector.shape_cast %reshape3A_538 : vector<16x1xi32> to vector<16xi32>
      %gather3A_540 = tpu.dynamic_gather %get3A_5[%gather3A_539] in [0] : vector<16xf32>, vector<16xi32> -> vector<16xf32>
      %ge3A_541 = arith.constant 1 : i32
      %ge3A_542 = vector.broadcast %ge3A_541 : i32 to vector<16xi32>
      %ge3A_543 = arith.cmpi sge, %add3A_379, %ge3A_542 : vector<16xi32>
      %lt3A_544 = arith.constant 16 : i32
      %lt3A_545 = vector.broadcast %lt3A_544 : i32 to vector<16xi32>
      %lt3A_546 = arith.cmpi slt, %add3A_379, %lt3A_545 : vector<16xi32>
      %and3A_547 = arith.andi %ge3A_543, %lt3A_546 : vector<16xi1>
      %select_n3A_548 = arith.select %and3A_547, %gather3A_537, %gather3A_540 : vector<16xi1>, vector<16xf32>
      %mul3A_549 = arith.constant 16 : i32
      %mul3A_550 = arith.muli %scan3A_374, %mul3A_549 : i32
      %add3A_551 = arith.constant 2048 : i32
      %add3A_552 = arith.addi %add3A_551, %mul3A_550 : i32
      %swap3A_553 = arith.index_cast %add3A_552 : i32 to index
      %swap3A_554 = tpu.vector_load %arg5[%swap3A_553] {strides = array<i32>} : memref<4096xf32, #tpu.memory_space<vmem>>, vector<16xf32>,
      %swap3A_555 = vector.shape_cast %swap3A_554 : vector<16xf32> to vector<16xf32>
      %swap3A_556 = vector.shape_cast %select_n3A_548 : vector<16xf32> to vector<16xf32>
      tpu.vector_store %arg5[%swap3A_553], %swap3A_556 {strides = array<i32>} : memref<4096xf32, #tpu.memory_space<vmem>>, vector<16xf32>,
      %scan3A_557 = arith.constant 3 : i32
      %scan3A_558 = arith.addi %scan3A_19, %scan3A_557 : i32
      %mul3A_559 = arith.constant 16 : i32
      %mul3A_560 = arith.muli %scan3A_558, %mul3A_559 : i32
      %iota3A_561 = tpu.iota {dimensions = array<i32: 0>} : vector<16xi32>
      %add3A_562 = vector.broadcast %mul3A_560 : i32 to vector<16xi32>
      %add3A_563 = arith.addi %add3A_562, %iota3A_561 : vector<16xi32>
      %broadcast_in_dim3A_564 = arith.constant 0 : i32
      %broadcast_in_dim3A_565 = vector.broadcast %broadcast_in_dim3A_564 : i32 to vector<16xi32>
      %sub3A_566 = arith.constant 18 : i32
      %sub3A_567 = vector.broadcast %sub3A_566 : i32 to vector<16xi32>
      %sub3A_568 = arith.subi %add3A_563, %sub3A_567 : vector<16xi32>
      %max3A_569 = arith.constant 0 : i32
      %max3A_570 = vector.broadcast %max3A_569 : i32 to vector<16xi32>
      %max3A_571 = arith.maxsi %sub3A_568, %max3A_570 : vector<16xi32>
      %min3A_572 = arith.constant 1 : i32
      %min3A_573 = vector.broadcast %min3A_572 : i32 to vector<16xi32>
      %min3A_574 = arith.minsi %max3A_571, %min3A_573 : vector<16xi32>
      %add3A_575 = arith.addi %broadcast_in_dim3A_565, %min3A_574 : vector<16xi32>
      %sub3A_576 = arith.constant 20 : i32
      %sub3A_577 = vector.broadcast %sub3A_576 : i32 to vector<16xi32>
      %sub3A_578 = arith.subi %add3A_563, %sub3A_577 : vector<16xi32>
      %max3A_579 = arith.constant 0 : i32
      %max3A_580 = vector.broadcast %max3A_579 : i32 to vector<16xi32>
      %max3A_581 = arith.maxsi %sub3A_578, %max3A_580 : vector<16xi32>
      %min3A_582 = arith.constant 1 : i32
      %min3A_583 = vector.broadcast %min3A_582 : i32 to vector<16xi32>
      %min3A_584 = arith.minsi %max3A_581, %min3A_583 : vector<16xi32>
      %add3A_585 = arith.addi %add3A_575, %min3A_584 : vector<16xi32>
      %sub3A_586 = arith.constant 23 : i32
      %sub3A_587 = vector.broadcast %sub3A_586 : i32 to vector<16xi32>
      %sub3A_588 = arith.subi %add3A_563, %sub3A_587 : vector<16xi32>
      %max3A_589 = arith.constant 0 : i32
      %max3A_590 = vector.broadcast %max3A_589 : i32 to vector<16xi32>
      %max3A_591 = arith.maxsi %sub3A_588, %max3A_590 : vector<16xi32>
      %min3A_592 = arith.constant 1 : i32
      %min3A_593 = vector.broadcast %min3A_592 : i32 to vector<16xi32>
      %min3A_594 = arith.minsi %max3A_591, %min3A_593 : vector<16xi32>
      %add3A_595 = arith.addi %add3A_585, %min3A_594 : vector<16xi32>
      %sub3A_596 = arith.constant 26 : i32
      %sub3A_597 = vector.broadcast %sub3A_596 : i32 to vector<16xi32>
      %sub3A_598 = arith.subi %add3A_563, %sub3A_597 : vector<16xi32>
      %max3A_599 = arith.constant 0 : i32
      %max3A_600 = vector.broadcast %max3A_599 : i32 to vector<16xi32>
      %max3A_601 = arith.maxsi %sub3A_598, %max3A_600 : vector<16xi32>
      %min3A_602 = arith.constant 1 : i32
      %min3A_603 = vector.broadcast %min3A_602 : i32 to vector<16xi32>
      %min3A_604 = arith.minsi %max3A_601, %min3A_603 : vector<16xi32>
      %add3A_605 = arith.addi %add3A_595, %min3A_604 : vector<16xi32>
      %sub3A_606 = arith.constant 30 : i32
      %sub3A_607 = vector.broadcast %sub3A_606 : i32 to vector<16xi32>
      %sub3A_608 = arith.subi %add3A_563, %sub3A_607 : vector<16xi32>
      %max3A_609 = arith.constant 0 : i32
      %max3A_610 = vector.broadcast %max3A_609 : i32 to vector<16xi32>
      %max3A_611 = arith.maxsi %sub3A_608, %max3A_610 : vector<16xi32>
      %min3A_612 = arith.constant 1 : i32
      %min3A_613 = vector.broadcast %min3A_612 : i32 to vector<16xi32>
      %min3A_614 = arith.minsi %max3A_611, %min3A_613 : vector<16xi32>
      %add3A_615 = arith.addi %add3A_605, %min3A_614 : vector<16xi32>
      %sub3A_616 = arith.constant 34 : i32
      %sub3A_617 = vector.broadcast %sub3A_616 : i32 to vector<16xi32>
      %sub3A_618 = arith.subi %add3A_563, %sub3A_617 : vector<16xi32>
      %max3A_619 = arith.constant 0 : i32
      %max3A_620 = vector.broadcast %max3A_619 : i32 to vector<16xi32>
      %max3A_621 = arith.maxsi %sub3A_618, %max3A_620 : vector<16xi32>
      %min3A_622 = arith.constant 1 : i32
      %min3A_623 = vector.broadcast %min3A_622 : i32 to vector<16xi32>
      %min3A_624 = arith.minsi %max3A_621, %min3A_623 : vector<16xi32>
      %add3A_625 = arith.addi %add3A_615, %min3A_624 : vector<16xi32>
      %sub3A_626 = arith.constant 39 : i32
      %sub3A_627 = vector.broadcast %sub3A_626 : i32 to vector<16xi32>
      %sub3A_628 = arith.subi %add3A_563, %sub3A_627 : vector<16xi32>
      %max3A_629 = arith.constant 0 : i32
      %max3A_630 = vector.broadcast %max3A_629 : i32 to vector<16xi32>
      %max3A_631 = arith.maxsi %sub3A_628, %max3A_630 : vector<16xi32>
      %min3A_632 = arith.constant 1 : i32
      %min3A_633 = vector.broadcast %min3A_632 : i32 to vector<16xi32>
      %min3A_634 = arith.minsi %max3A_631, %min3A_633 : vector<16xi32>
      %add3A_635 = arith.addi %add3A_625, %min3A_634 : vector<16xi32>
      %sub3A_636 = arith.constant 45 : i32
      %sub3A_637 = vector.broadcast %sub3A_636 : i32 to vector<16xi32>
      %sub3A_638 = arith.subi %add3A_563, %sub3A_637 : vector<16xi32>
      %max3A_639 = arith.constant 0 : i32
      %max3A_640 = vector.broadcast %max3A_639 : i32 to vector<16xi32>
      %max3A_641 = arith.maxsi %sub3A_638, %max3A_640 : vector<16xi32>
      %min3A_642 = arith.constant 1 : i32
      %min3A_643 = vector.broadcast %min3A_642 : i32 to vector<16xi32>
      %min3A_644 = arith.minsi %max3A_641, %min3A_643 : vector<16xi32>
      %add3A_645 = arith.addi %add3A_635, %min3A_644 : vector<16xi32>
      %sub3A_646 = arith.constant 51 : i32
      %sub3A_647 = vector.broadcast %sub3A_646 : i32 to vector<16xi32>
      %sub3A_648 = arith.subi %add3A_563, %sub3A_647 : vector<16xi32>
      %max3A_649 = arith.constant 0 : i32
      %max3A_650 = vector.broadcast %max3A_649 : i32 to vector<16xi32>
      %max3A_651 = arith.maxsi %sub3A_648, %max3A_650 : vector<16xi32>
      %min3A_652 = arith.constant 1 : i32
      %min3A_653 = vector.broadcast %min3A_652 : i32 to vector<16xi32>
      %min3A_654 = arith.minsi %max3A_651, %min3A_653 : vector<16xi32>
      %add3A_655 = arith.addi %add3A_645, %min3A_654 : vector<16xi32>
      %sub3A_656 = arith.constant 58 : i32
      %sub3A_657 = vector.broadcast %sub3A_656 : i32 to vector<16xi32>
      %sub3A_658 = arith.subi %add3A_563, %sub3A_657 : vector<16xi32>
      %max3A_659 = arith.constant 0 : i32
      %max3A_660 = vector.broadcast %max3A_659 : i32 to vector<16xi32>
      %max3A_661 = arith.maxsi %sub3A_658, %max3A_660 : vector<16xi32>
      %min3A_662 = arith.constant 1 : i32
      %min3A_663 = vector.broadcast %min3A_662 : i32 to vector<16xi32>
      %min3A_664 = arith.minsi %max3A_661, %min3A_663 : vector<16xi32>
      %add3A_665 = arith.addi %add3A_655, %min3A_664 : vector<16xi32>
      %sub3A_666 = arith.constant 66 : i32
      %sub3A_667 = vector.broadcast %sub3A_666 : i32 to vector<16xi32>
      %sub3A_668 = arith.subi %add3A_563, %sub3A_667 : vector<16xi32>
      %max3A_669 = arith.constant 0 : i32
      %max3A_670 = vector.broadcast %max3A_669 : i32 to vector<16xi32>
      %max3A_671 = arith.maxsi %sub3A_668, %max3A_670 : vector<16xi32>
      %min3A_672 = arith.constant 1 : i32
      %min3A_673 = vector.broadcast %min3A_672 : i32 to vector<16xi32>
      %min3A_674 = arith.minsi %max3A_671, %min3A_673 : vector<16xi32>
      %add3A_675 = arith.addi %add3A_665, %min3A_674 : vector<16xi32>
      %sub3A_676 = arith.constant 76 : i32
      %sub3A_677 = vector.broadcast %sub3A_676 : i32 to vector<16xi32>
      %sub3A_678 = arith.subi %add3A_563, %sub3A_677 : vector<16xi32>
      %max3A_679 = arith.constant 0 : i32
      %max3A_680 = vector.broadcast %max3A_679 : i32 to vector<16xi32>
      %max3A_681 = arith.maxsi %sub3A_678, %max3A_680 : vector<16xi32>
      %min3A_682 = arith.constant 1 : i32
      %min3A_683 = vector.broadcast %min3A_682 : i32 to vector<16xi32>
      %min3A_684 = arith.minsi %max3A_681, %min3A_683 : vector<16xi32>
      %add3A_685 = arith.addi %add3A_675, %min3A_684 : vector<16xi32>
      %sub3A_686 = arith.constant 86 : i32
      %sub3A_687 = vector.broadcast %sub3A_686 : i32 to vector<16xi32>
      %sub3A_688 = arith.subi %add3A_563, %sub3A_687 : vector<16xi32>
      %max3A_689 = arith.constant 0 : i32
      %max3A_690 = vector.broadcast %max3A_689 : i32 to vector<16xi32>
      %max3A_691 = arith.maxsi %sub3A_688, %max3A_690 : vector<16xi32>
      %min3A_692 = arith.constant 1 : i32
      %min3A_693 = vector.broadcast %min3A_692 : i32 to vector<16xi32>
      %min3A_694 = arith.minsi %max3A_691, %min3A_693 : vector<16xi32>
      %add3A_695 = arith.addi %add3A_685, %min3A_694 : vector<16xi32>
      %sub3A_696 = arith.constant 98 : i32
      %sub3A_697 = vector.broadcast %sub3A_696 : i32 to vector<16xi32>
      %sub3A_698 = arith.subi %add3A_563, %sub3A_697 : vector<16xi32>
      %max3A_699 = arith.constant 0 : i32
      %max3A_700 = vector.broadcast %max3A_699 : i32 to vector<16xi32>
      %max3A_701 = arith.maxsi %sub3A_698, %max3A_700 : vector<16xi32>
      %min3A_702 = arith.constant 1 : i32
      %min3A_703 = vector.broadcast %min3A_702 : i32 to vector<16xi32>
      %min3A_704 = arith.minsi %max3A_701, %min3A_703 : vector<16xi32>
      %add3A_705 = arith.addi %add3A_695, %min3A_704 : vector<16xi32>
      %sub3A_706 = arith.constant 112 : i32
      %sub3A_707 = vector.broadcast %sub3A_706 : i32 to vector<16xi32>
      %sub3A_708 = arith.subi %add3A_563, %sub3A_707 : vector<16xi32>
      %max3A_709 = arith.constant 0 : i32
      %max3A_710 = vector.broadcast %max3A_709 : i32 to vector<16xi32>
      %max3A_711 = arith.maxsi %sub3A_708, %max3A_710 : vector<16xi32>
      %min3A_712 = arith.constant 1 : i32
      %min3A_713 = vector.broadcast %min3A_712 : i32 to vector<16xi32>
      %min3A_714 = arith.minsi %max3A_711, %min3A_713 : vector<16xi32>
      %add3A_715 = arith.addi %add3A_705, %min3A_714 : vector<16xi32>
      %min3A_716 = arith.constant 15 : i32
      %min3A_717 = vector.broadcast %min3A_716 : i32 to vector<16xi32>
      %min3A_718 = arith.minsi %add3A_563, %min3A_717 : vector<16xi32>
      %reshape3A_719 = vector.shape_cast %min3A_718 : vector<16xi32> to vector<16x1xi32>
      %gather3A_720 = vector.shape_cast %reshape3A_719 : vector<16x1xi32> to vector<16xi32>
      %gather3A_721 = tpu.dynamic_gather %get3A_2[%gather3A_720] in [0] : vector<16xf32>, vector<16xi32> -> vector<16xf32>
      %reshape3A_722 = vector.shape_cast %add3A_715 : vector<16xi32> to vector<16x1xi32>
      %gather3A_723 = vector.shape_cast %reshape3A_722 : vector<16x1xi32> to vector<16xi32>
      %gather3A_724 = tpu.dynamic_gather %get3A_5[%gather3A_723] in [0] : vector<16xf32>, vector<16xi32> -> vector<16xf32>
      %ge3A_725 = arith.constant 1 : i32
      %ge3A_726 = vector.broadcast %ge3A_725 : i32 to vector<16xi32>
      %ge3A_727 = arith.cmpi sge, %add3A_563, %ge3A_726 : vector<16xi32>
      %lt3A_728 = arith.constant 16 : i32
      %lt3A_729 = vector.broadcast %lt3A_728 : i32 to vector<16xi32>
      %lt3A_730 = arith.cmpi slt, %add3A_563, %lt3A_729 : vector<16xi32>
      %and3A_731 = arith.andi %ge3A_727, %lt3A_730 : vector<16xi1>
      %select_n3A_732 = arith.select %and3A_731, %gather3A_721, %gather3A_724 : vector<16xi1>, vector<16xf32>
      %mul3A_733 = arith.constant 16 : i32
      %mul3A_734 = arith.muli %scan3A_558, %mul3A_733 : i32
      %add3A_735 = arith.constant 2048 : i32
      %add3A_736 = arith.addi %add3A_735, %mul3A_734 : i32
      %swap3A_737 = arith.index_cast %add3A_736 : i32 to index
      %swap3A_738 = tpu.vector_load %arg5[%swap3A_737] {strides = array<i32>} : memref<4096xf32, #tpu.memory_space<vmem>>, vector<16xf32>,
      %swap3A_739 = vector.shape_cast %swap3A_738 : vector<16xf32> to vector<16xf32>
      %swap3A_740 = vector.shape_cast %select_n3A_732 : vector<16xf32> to vector<16xf32>
      tpu.vector_store %arg5[%swap3A_737], %swap3A_740 {strides = array<i32>} : memref<4096xf32, #tpu.memory_space<vmem>>, vector<16xf32>,
      %scan3A_741 = arith.constant 4 : i32
      %scan3A_742 = arith.addi %scan3A_19, %scan3A_741 : i32
      %mul3A_743 = arith.constant 16 : i32
      %mul3A_744 = arith.muli %scan3A_742, %mul3A_743 : i32
      %iota3A_745 = tpu.iota {dimensions = array<i32: 0>} : vector<16xi32>
      %add3A_746 = vector.broadcast %mul3A_744 : i32 to vector<16xi32>
      %add3A_747 = arith.addi %add3A_746, %iota3A_745 : vector<16xi32>
      %broadcast_in_dim3A_748 = arith.constant 0 : i32
      %broadcast_in_dim3A_749 = vector.broadcast %broadcast_in_dim3A_748 : i32 to vector<16xi32>
      %sub3A_750 = arith.constant 18 : i32
      %sub3A_751 = vector.broadcast %sub3A_750 : i32 to vector<16xi32>
      %sub3A_752 = arith.subi %add3A_747, %sub3A_751 : vector<16xi32>
      %max3A_753 = arith.constant 0 : i32
      %max3A_754 = vector.broadcast %max3A_753 : i32 to vector<16xi32>
      %max3A_755 = arith.maxsi %sub3A_752, %max3A_754 : vector<16xi32>
      %min3A_756 = arith.constant 1 : i32
      %min3A_757 = vector.broadcast %min3A_756 : i32 to vector<16xi32>
      %min3A_758 = arith.minsi %max3A_755, %min3A_757 : vector<16xi32>
      %add3A_759 = arith.addi %broadcast_in_dim3A_749, %min3A_758 : vector<16xi32>
      %sub3A_760 = arith.constant 20 : i32
      %sub3A_761 = vector.broadcast %sub3A_760 : i32 to vector<16xi32>
      %sub3A_762 = arith.subi %add3A_747, %sub3A_761 : vector<16xi32>
      %max3A_763 = arith.constant 0 : i32
      %max3A_764 = vector.broadcast %max3A_763 : i32 to vector<16xi32>
      %max3A_765 = arith.maxsi %sub3A_762, %max3A_764 : vector<16xi32>
      %min3A_766 = arith.constant 1 : i32
      %min3A_767 = vector.broadcast %min3A_766 : i32 to vector<16xi32>
      %min3A_768 = arith.minsi %max3A_765, %min3A_767 : vector<16xi32>
      %add3A_769 = arith.addi %add3A_759, %min3A_768 : vector<16xi32>
      %sub3A_770 = arith.constant 23 : i32
      %sub3A_771 = vector.broadcast %sub3A_770 : i32 to vector<16xi32>
      %sub3A_772 = arith.subi %add3A_747, %sub3A_771 : vector<16xi32>
      %max3A_773 = arith.constant 0 : i32
      %max3A_774 = vector.broadcast %max3A_773 : i32 to vector<16xi32>
      %max3A_775 = arith.maxsi %sub3A_772, %max3A_774 : vector<16xi32>
      %min3A_776 = arith.constant 1 : i32
      %min3A_777 = vector.broadcast %min3A_776 : i32 to vector<16xi32>
      %min3A_778 = arith.minsi %max3A_775, %min3A_777 : vector<16xi32>
      %add3A_779 = arith.addi %add3A_769, %min3A_778 : vector<16xi32>
      %sub3A_780 = arith.constant 26 : i32
      %sub3A_781 = vector.broadcast %sub3A_780 : i32 to vector<16xi32>
      %sub3A_782 = arith.subi %add3A_747, %sub3A_781 : vector<16xi32>
      %max3A_783 = arith.constant 0 : i32
      %max3A_784 = vector.broadcast %max3A_783 : i32 to vector<16xi32>
      %max3A_785 = arith.maxsi %sub3A_782, %max3A_784 : vector<16xi32>
      %min3A_786 = arith.constant 1 : i32
      %min3A_787 = vector.broadcast %min3A_786 : i32 to vector<16xi32>
      %min3A_788 = arith.minsi %max3A_785, %min3A_787 : vector<16xi32>
      %add3A_789 = arith.addi %add3A_779, %min3A_788 : vector<16xi32>
      %sub3A_790 = arith.constant 30 : i32
      %sub3A_791 = vector.broadcast %sub3A_790 : i32 to vector<16xi32>
      %sub3A_792 = arith.subi %add3A_747, %sub3A_791 : vector<16xi32>
      %max3A_793 = arith.constant 0 : i32
      %max3A_794 = vector.broadcast %max3A_793 : i32 to vector<16xi32>
      %max3A_795 = arith.maxsi %sub3A_792, %max3A_794 : vector<16xi32>
      %min3A_796 = arith.constant 1 : i32
      %min3A_797 = vector.broadcast %min3A_796 : i32 to vector<16xi32>
      %min3A_798 = arith.minsi %max3A_795, %min3A_797 : vector<16xi32>
      %add3A_799 = arith.addi %add3A_789, %min3A_798 : vector<16xi32>
      %sub3A_800 = arith.constant 34 : i32
      %sub3A_801 = vector.broadcast %sub3A_800 : i32 to vector<16xi32>
      %sub3A_802 = arith.subi %add3A_747, %sub3A_801 : vector<16xi32>
      %max3A_803 = arith.constant 0 : i32
      %max3A_804 = vector.broadcast %max3A_803 : i32 to vector<16xi32>
      %max3A_805 = arith.maxsi %sub3A_802, %max3A_804 : vector<16xi32>
      %min3A_806 = arith.constant 1 : i32
      %min3A_807 = vector.broadcast %min3A_806 : i32 to vector<16xi32>
      %min3A_808 = arith.minsi %max3A_805, %min3A_807 : vector<16xi32>
      %add3A_809 = arith.addi %add3A_799, %min3A_808 : vector<16xi32>
      %sub3A_810 = arith.constant 39 : i32
      %sub3A_811 = vector.broadcast %sub3A_810 : i32 to vector<16xi32>
      %sub3A_812 = arith.subi %add3A_747, %sub3A_811 : vector<16xi32>
      %max3A_813 = arith.constant 0 : i32
      %max3A_814 = vector.broadcast %max3A_813 : i32 to vector<16xi32>
      %max3A_815 = arith.maxsi %sub3A_812, %max3A_814 : vector<16xi32>
      %min3A_816 = arith.constant 1 : i32
      %min3A_817 = vector.broadcast %min3A_816 : i32 to vector<16xi32>
      %min3A_818 = arith.minsi %max3A_815, %min3A_817 : vector<16xi32>
      %add3A_819 = arith.addi %add3A_809, %min3A_818 : vector<16xi32>
      %sub3A_820 = arith.constant 45 : i32
      %sub3A_821 = vector.broadcast %sub3A_820 : i32 to vector<16xi32>
      %sub3A_822 = arith.subi %add3A_747, %sub3A_821 : vector<16xi32>
      %max3A_823 = arith.constant 0 : i32
      %max3A_824 = vector.broadcast %max3A_823 : i32 to vector<16xi32>
      %max3A_825 = arith.maxsi %sub3A_822, %max3A_824 : vector<16xi32>
      %min3A_826 = arith.constant 1 : i32
      %min3A_827 = vector.broadcast %min3A_826 : i32 to vector<16xi32>
      %min3A_828 = arith.minsi %max3A_825, %min3A_827 : vector<16xi32>
      %add3A_829 = arith.addi %add3A_819, %min3A_828 : vector<16xi32>
      %sub3A_830 = arith.constant 51 : i32
      %sub3A_831 = vector.broadcast %sub3A_830 : i32 to vector<16xi32>
      %sub3A_832 = arith.subi %add3A_747, %sub3A_831 : vector<16xi32>
      %max3A_833 = arith.constant 0 : i32
      %max3A_834 = vector.broadcast %max3A_833 : i32 to vector<16xi32>
      %max3A_835 = arith.maxsi %sub3A_832, %max3A_834 : vector<16xi32>
      %min3A_836 = arith.constant 1 : i32
      %min3A_837 = vector.broadcast %min3A_836 : i32 to vector<16xi32>
      %min3A_838 = arith.minsi %max3A_835, %min3A_837 : vector<16xi32>
      %add3A_839 = arith.addi %add3A_829, %min3A_838 : vector<16xi32>
      %sub3A_840 = arith.constant 58 : i32
      %sub3A_841 = vector.broadcast %sub3A_840 : i32 to vector<16xi32>
      %sub3A_842 = arith.subi %add3A_747, %sub3A_841 : vector<16xi32>
      %max3A_843 = arith.constant 0 : i32
      %max3A_844 = vector.broadcast %max3A_843 : i32 to vector<16xi32>
      %max3A_845 = arith.maxsi %sub3A_842, %max3A_844 : vector<16xi32>
      %min3A_846 = arith.constant 1 : i32
      %min3A_847 = vector.broadcast %min3A_846 : i32 to vector<16xi32>
      %min3A_848 = arith.minsi %max3A_845, %min3A_847 : vector<16xi32>
      %add3A_849 = arith.addi %add3A_839, %min3A_848 : vector<16xi32>
      %sub3A_850 = arith.constant 66 : i32
      %sub3A_851 = vector.broadcast %sub3A_850 : i32 to vector<16xi32>
      %sub3A_852 = arith.subi %add3A_747, %sub3A_851 : vector<16xi32>
      %max3A_853 = arith.constant 0 : i32
      %max3A_854 = vector.broadcast %max3A_853 : i32 to vector<16xi32>
      %max3A_855 = arith.maxsi %sub3A_852, %max3A_854 : vector<16xi32>
      %min3A_856 = arith.constant 1 : i32
      %min3A_857 = vector.broadcast %min3A_856 : i32 to vector<16xi32>
      %min3A_858 = arith.minsi %max3A_855, %min3A_857 : vector<16xi32>
      %add3A_859 = arith.addi %add3A_849, %min3A_858 : vector<16xi32>
      %sub3A_860 = arith.constant 76 : i32
      %sub3A_861 = vector.broadcast %sub3A_860 : i32 to vector<16xi32>
      %sub3A_862 = arith.subi %add3A_747, %sub3A_861 : vector<16xi32>
      %max3A_863 = arith.constant 0 : i32
      %max3A_864 = vector.broadcast %max3A_863 : i32 to vector<16xi32>
      %max3A_865 = arith.maxsi %sub3A_862, %max3A_864 : vector<16xi32>
      %min3A_866 = arith.constant 1 : i32
      %min3A_867 = vector.broadcast %min3A_866 : i32 to vector<16xi32>
      %min3A_868 = arith.minsi %max3A_865, %min3A_867 : vector<16xi32>
      %add3A_869 = arith.addi %add3A_859, %min3A_868 : vector<16xi32>
      %sub3A_870 = arith.constant 86 : i32
      %sub3A_871 = vector.broadcast %sub3A_870 : i32 to vector<16xi32>
      %sub3A_872 = arith.subi %add3A_747, %sub3A_871 : vector<16xi32>
      %max3A_873 = arith.constant 0 : i32
      %max3A_874 = vector.broadcast %max3A_873 : i32 to vector<16xi32>
      %max3A_875 = arith.maxsi %sub3A_872, %max3A_874 : vector<16xi32>
      %min3A_876 = arith.constant 1 : i32
      %min3A_877 = vector.broadcast %min3A_876 : i32 to vector<16xi32>
      %min3A_878 = arith.minsi %max3A_875, %min3A_877 : vector<16xi32>
      %add3A_879 = arith.addi %add3A_869, %min3A_878 : vector<16xi32>
      %sub3A_880 = arith.constant 98 : i32
      %sub3A_881 = vector.broadcast %sub3A_880 : i32 to vector<16xi32>
      %sub3A_882 = arith.subi %add3A_747, %sub3A_881 : vector<16xi32>
      %max3A_883 = arith.constant 0 : i32
      %max3A_884 = vector.broadcast %max3A_883 : i32 to vector<16xi32>
      %max3A_885 = arith.maxsi %sub3A_882, %max3A_884 : vector<16xi32>
      %min3A_886 = arith.constant 1 : i32
      %min3A_887 = vector.broadcast %min3A_886 : i32 to vector<16xi32>
      %min3A_888 = arith.minsi %max3A_885, %min3A_887 : vector<16xi32>
      %add3A_889 = arith.addi %add3A_879, %min3A_888 : vector<16xi32>
      %sub3A_890 = arith.constant 112 : i32
      %sub3A_891 = vector.broadcast %sub3A_890 : i32 to vector<16xi32>
      %sub3A_892 = arith.subi %add3A_747, %sub3A_891 : vector<16xi32>
      %max3A_893 = arith.constant 0 : i32
      %max3A_894 = vector.broadcast %max3A_893 : i32 to vector<16xi32>
      %max3A_895 = arith.maxsi %sub3A_892, %max3A_894 : vector<16xi32>
      %min3A_896 = arith.constant 1 : i32
      %min3A_897 = vector.broadcast %min3A_896 : i32 to vector<16xi32>
      %min3A_898 = arith.minsi %max3A_895, %min3A_897 : vector<16xi32>
      %add3A_899 = arith.addi %add3A_889, %min3A_898 : vector<16xi32>
      %min3A_900 = arith.constant 15 : i32
      %min3A_901 = vector.broadcast %min3A_900 : i32 to vector<16xi32>
      %min3A_902 = arith.minsi %add3A_747, %min3A_901 : vector<16xi32>
      %reshape3A_903 = vector.shape_cast %min3A_902 : vector<16xi32> to vector<16x1xi32>
      %gather3A_904 = vector.shape_cast %reshape3A_903 : vector<16x1xi32> to vector<16xi32>
      %gather3A_905 = tpu.dynamic_gather %get3A_2[%gather3A_904] in [0] : vector<16xf32>, vector<16xi32> -> vector<16xf32>
      %reshape3A_906 = vector.shape_cast %add3A_899 : vector<16xi32> to vector<16x1xi32>
      %gather3A_907 = vector.shape_cast %reshape3A_906 : vector<16x1xi32> to vector<16xi32>
      %gather3A_908 = tpu.dynamic_gather %get3A_5[%gather3A_907] in [0] : vector<16xf32>, vector<16xi32> -> vector<16xf32>
      %ge3A_909 = arith.constant 1 : i32
      %ge3A_910 = vector.broadcast %ge3A_909 : i32 to vector<16xi32>
      %ge3A_911 = arith.cmpi sge, %add3A_747, %ge3A_910 : vector<16xi32>
      %lt3A_912 = arith.constant 16 : i32
      %lt3A_913 = vector.broadcast %lt3A_912 : i32 to vector<16xi32>
      %lt3A_914 = arith.cmpi slt, %add3A_747, %lt3A_913 : vector<16xi32>
      %and3A_915 = arith.andi %ge3A_911, %lt3A_914 : vector<16xi1>
      %select_n3A_916 = arith.select %and3A_915, %gather3A_905, %gather3A_908 : vector<16xi1>, vector<16xf32>
      %mul3A_917 = arith.constant 16 : i32
      %mul3A_918 = arith.muli %scan3A_742, %mul3A_917 : i32
      %add3A_919 = arith.constant 2048 : i32
      %add3A_920 = arith.addi %add3A_919, %mul3A_918 : i32
      %swap3A_921 = arith.index_cast %add3A_920 : i32 to index
      %swap3A_922 = tpu.vector_load %arg5[%swap3A_921] {strides = array<i32>} : memref<4096xf32, #tpu.memory_space<vmem>>, vector<16xf32>,
      %swap3A_923 = vector.shape_cast %swap3A_922 : vector<16xf32> to vector<16xf32>
      %swap3A_924 = vector.shape_cast %select_n3A_916 : vector<16xf32> to vector<16xf32>
      tpu.vector_store %arg5[%swap3A_921], %swap3A_924 {strides = array<i32>} : memref<4096xf32, #tpu.memory_space<vmem>>, vector<16xf32>,
      %scan3A_925 = arith.constant 5 : i32
      %scan3A_926 = arith.addi %scan3A_19, %scan3A_925 : i32
      %mul3A_927 = arith.constant 16 : i32
      %mul3A_928 = arith.muli %scan3A_926, %mul3A_927 : i32
      %iota3A_929 = tpu.iota {dimensions = array<i32: 0>} : vector<16xi32>
      %add3A_930 = vector.broadcast %mul3A_928 : i32 to vector<16xi32>
      %add3A_931 = arith.addi %add3A_930, %iota3A_929 : vector<16xi32>
      %broadcast_in_dim3A_932 = arith.constant 0 : i32
      %broadcast_in_dim3A_933 = vector.broadcast %broadcast_in_dim3A_932 : i32 to vector<16xi32>
      %sub3A_934 = arith.constant 18 : i32
      %sub3A_935 = vector.broadcast %sub3A_934 : i32 to vector<16xi32>
      %sub3A_936 = arith.subi %add3A_931, %sub3A_935 : vector<16xi32>
      %max3A_937 = arith.constant 0 : i32
      %max3A_938 = vector.broadcast %max3A_937 : i32 to vector<16xi32>
      %max3A_939 = arith.maxsi %sub3A_936, %max3A_938 : vector<16xi32>
      %min3A_940 = arith.constant 1 : i32
      %min3A_941 = vector.broadcast %min3A_940 : i32 to vector<16xi32>
      %min3A_942 = arith.minsi %max3A_939, %min3A_941 : vector<16xi32>
      %add3A_943 = arith.addi %broadcast_in_dim3A_933, %min3A_942 : vector<16xi32>
      %sub3A_944 = arith.constant 20 : i32
      %sub3A_945 = vector.broadcast %sub3A_944 : i32 to vector<16xi32>
      %sub3A_946 = arith.subi %add3A_931, %sub3A_945 : vector<16xi32>
      %max3A_947 = arith.constant 0 : i32
      %max3A_948 = vector.broadcast %max3A_947 : i32 to vector<16xi32>
      %max3A_949 = arith.maxsi %sub3A_946, %max3A_948 : vector<16xi32>
      %min3A_950 = arith.constant 1 : i32
      %min3A_951 = vector.broadcast %min3A_950 : i32 to vector<16xi32>
      %min3A_952 = arith.minsi %max3A_949, %min3A_951 : vector<16xi32>
      %add3A_953 = arith.addi %add3A_943, %min3A_952 : vector<16xi32>
      %sub3A_954 = arith.constant 23 : i32
      %sub3A_955 = vector.broadcast %sub3A_954 : i32 to vector<16xi32>
      %sub3A_956 = arith.subi %add3A_931, %sub3A_955 : vector<16xi32>
      %max3A_957 = arith.constant 0 : i32
      %max3A_958 = vector.broadcast %max3A_957 : i32 to vector<16xi32>
      %max3A_959 = arith.maxsi %sub3A_956, %max3A_958 : vector<16xi32>
      %min3A_960 = arith.constant 1 : i32
      %min3A_961 = vector.broadcast %min3A_960 : i32 to vector<16xi32>
      %min3A_962 = arith.minsi %max3A_959, %min3A_961 : vector<16xi32>
      %add3A_963 = arith.addi %add3A_953, %min3A_962 : vector<16xi32>
      %sub3A_964 = arith.constant 26 : i32
      %sub3A_965 = vector.broadcast %sub3A_964 : i32 to vector<16xi32>
      %sub3A_966 = arith.subi %add3A_931, %sub3A_965 : vector<16xi32>
      %max3A_967 = arith.constant 0 : i32
      %max3A_968 = vector.broadcast %max3A_967 : i32 to vector<16xi32>
      %max3A_969 = arith.maxsi %sub3A_966, %max3A_968 : vector<16xi32>
      %min3A_970 = arith.constant 1 : i32
      %min3A_971 = vector.broadcast %min3A_970 : i32 to vector<16xi32>
      %min3A_972 = arith.minsi %max3A_969, %min3A_971 : vector<16xi32>
      %add3A_973 = arith.addi %add3A_963, %min3A_972 : vector<16xi32>
      %sub3A_974 = arith.constant 30 : i32
      %sub3A_975 = vector.broadcast %sub3A_974 : i32 to vector<16xi32>
      %sub3A_976 = arith.subi %add3A_931, %sub3A_975 : vector<16xi32>
      %max3A_977 = arith.constant 0 : i32
      %max3A_978 = vector.broadcast %max3A_977 : i32 to vector<16xi32>
      %max3A_979 = arith.maxsi %sub3A_976, %max3A_978 : vector<16xi32>
      %min3A_980 = arith.constant 1 : i32
      %min3A_981 = vector.broadcast %min3A_980 : i32 to vector<16xi32>
      %min3A_982 = arith.minsi %max3A_979, %min3A_981 : vector<16xi32>
      %add3A_983 = arith.addi %add3A_973, %min3A_982 : vector<16xi32>
      %sub3A_984 = arith.constant 34 : i32
      %sub3A_985 = vector.broadcast %sub3A_984 : i32 to vector<16xi32>
      %sub3A_986 = arith.subi %add3A_931, %sub3A_985 : vector<16xi32>
      %max3A_987 = arith.constant 0 : i32
      %max3A_988 = vector.broadcast %max3A_987 : i32 to vector<16xi32>
      %max3A_989 = arith.maxsi %sub3A_986, %max3A_988 : vector<16xi32>
      %min3A_990 = arith.constant 1 : i32
      %min3A_991 = vector.broadcast %min3A_990 : i32 to vector<16xi32>
      %min3A_992 = arith.minsi %max3A_989, %min3A_991 : vector<16xi32>
      %add3A_993 = arith.addi %add3A_983, %min3A_992 : vector<16xi32>
      %sub3A_994 = arith.constant 39 : i32
      %sub3A_995 = vector.broadcast %sub3A_994 : i32 to vector<16xi32>
      %sub3A_996 = arith.subi %add3A_931, %sub3A_995 : vector<16xi32>
      %max3A_997 = arith.constant 0 : i32
      %max3A_998 = vector.broadcast %max3A_997 : i32 to vector<16xi32>
      %max3A_999 = arith.maxsi %sub3A_996, %max3A_998 : vector<16xi32>
      %min3A_1000 = arith.constant 1 : i32
      %min3A_1001 = vector.broadcast %min3A_1000 : i32 to vector<16xi32>
      %min3A_1002 = arith.minsi %max3A_999, %min3A_1001 : vector<16xi32>
      %add3A_1003 = arith.addi %add3A_993, %min3A_1002 : vector<16xi32>
      %sub3A_1004 = arith.constant 45 : i32
      %sub3A_1005 = vector.broadcast %sub3A_1004 : i32 to vector<16xi32>
      %sub3A_1006 = arith.subi %add3A_931, %sub3A_1005 : vector<16xi32>
      %max3A_1007 = arith.constant 0 : i32
      %max3A_1008 = vector.broadcast %max3A_1007 : i32 to vector<16xi32>
      %max3A_1009 = arith.maxsi %sub3A_1006, %max3A_1008 : vector<16xi32>
      %min3A_1010 = arith.constant 1 : i32
      %min3A_1011 = vector.broadcast %min3A_1010 : i32 to vector<16xi32>
      %min3A_1012 = arith.minsi %max3A_1009, %min3A_1011 : vector<16xi32>
      %add3A_1013 = arith.addi %add3A_1003, %min3A_1012 : vector<16xi32>
      %sub3A_1014 = arith.constant 51 : i32
      %sub3A_1015 = vector.broadcast %sub3A_1014 : i32 to vector<16xi32>
      %sub3A_1016 = arith.subi %add3A_931, %sub3A_1015 : vector<16xi32>
      %max3A_1017 = arith.constant 0 : i32
      %max3A_1018 = vector.broadcast %max3A_1017 : i32 to vector<16xi32>
      %max3A_1019 = arith.maxsi %sub3A_1016, %max3A_1018 : vector<16xi32>
      %min3A_1020 = arith.constant 1 : i32
      %min3A_1021 = vector.broadcast %min3A_1020 : i32 to vector<16xi32>
      %min3A_1022 = arith.minsi %max3A_1019, %min3A_1021 : vector<16xi32>
      %add3A_1023 = arith.addi %add3A_1013, %min3A_1022 : vector<16xi32>
      %sub3A_1024 = arith.constant 58 : i32
      %sub3A_1025 = vector.broadcast %sub3A_1024 : i32 to vector<16xi32>
      %sub3A_1026 = arith.subi %add3A_931, %sub3A_1025 : vector<16xi32>
      %max3A_1027 = arith.constant 0 : i32
      %max3A_1028 = vector.broadcast %max3A_1027 : i32 to vector<16xi32>
      %max3A_1029 = arith.maxsi %sub3A_1026, %max3A_1028 : vector<16xi32>
      %min3A_1030 = arith.constant 1 : i32
      %min3A_1031 = vector.broadcast %min3A_1030 : i32 to vector<16xi32>
      %min3A_1032 = arith.minsi %max3A_1029, %min3A_1031 : vector<16xi32>
      %add3A_1033 = arith.addi %add3A_1023, %min3A_1032 : vector<16xi32>
      %sub3A_1034 = arith.constant 66 : i32
      %sub3A_1035 = vector.broadcast %sub3A_1034 : i32 to vector<16xi32>
      %sub3A_1036 = arith.subi %add3A_931, %sub3A_1035 : vector<16xi32>
      %max3A_1037 = arith.constant 0 : i32
      %max3A_1038 = vector.broadcast %max3A_1037 : i32 to vector<16xi32>
      %max3A_1039 = arith.maxsi %sub3A_1036, %max3A_1038 : vector<16xi32>
      %min3A_1040 = arith.constant 1 : i32
      %min3A_1041 = vector.broadcast %min3A_1040 : i32 to vector<16xi32>
      %min3A_1042 = arith.minsi %max3A_1039, %min3A_1041 : vector<16xi32>
      %add3A_1043 = arith.addi %add3A_1033, %min3A_1042 : vector<16xi32>
      %sub3A_1044 = arith.constant 76 : i32
      %sub3A_1045 = vector.broadcast %sub3A_1044 : i32 to vector<16xi32>
      %sub3A_1046 = arith.subi %add3A_931, %sub3A_1045 : vector<16xi32>
      %max3A_1047 = arith.constant 0 : i32
      %max3A_1048 = vector.broadcast %max3A_1047 : i32 to vector<16xi32>
      %max3A_1049 = arith.maxsi %sub3A_1046, %max3A_1048 : vector<16xi32>
      %min3A_1050 = arith.constant 1 : i32
      %min3A_1051 = vector.broadcast %min3A_1050 : i32 to vector<16xi32>
      %min3A_1052 = arith.minsi %max3A_1049, %min3A_1051 : vector<16xi32>
      %add3A_1053 = arith.addi %add3A_1043, %min3A_1052 : vector<16xi32>
      %sub3A_1054 = arith.constant 86 : i32
      %sub3A_1055 = vector.broadcast %sub3A_1054 : i32 to vector<16xi32>
      %sub3A_1056 = arith.subi %add3A_931, %sub3A_1055 : vector<16xi32>
      %max3A_1057 = arith.constant 0 : i32
      %max3A_1058 = vector.broadcast %max3A_1057 : i32 to vector<16xi32>
      %max3A_1059 = arith.maxsi %sub3A_1056, %max3A_1058 : vector<16xi32>
      %min3A_1060 = arith.constant 1 : i32
      %min3A_1061 = vector.broadcast %min3A_1060 : i32 to vector<16xi32>
      %min3A_1062 = arith.minsi %max3A_1059, %min3A_1061 : vector<16xi32>
      %add3A_1063 = arith.addi %add3A_1053, %min3A_1062 : vector<16xi32>
      %sub3A_1064 = arith.constant 98 : i32
      %sub3A_1065 = vector.broadcast %sub3A_1064 : i32 to vector<16xi32>
      %sub3A_1066 = arith.subi %add3A_931, %sub3A_1065 : vector<16xi32>
      %max3A_1067 = arith.constant 0 : i32
      %max3A_1068 = vector.broadcast %max3A_1067 : i32 to vector<16xi32>
      %max3A_1069 = arith.maxsi %sub3A_1066, %max3A_1068 : vector<16xi32>
      %min3A_1070 = arith.constant 1 : i32
      %min3A_1071 = vector.broadcast %min3A_1070 : i32 to vector<16xi32>
      %min3A_1072 = arith.minsi %max3A_1069, %min3A_1071 : vector<16xi32>
      %add3A_1073 = arith.addi %add3A_1063, %min3A_1072 : vector<16xi32>
      %sub3A_1074 = arith.constant 112 : i32
      %sub3A_1075 = vector.broadcast %sub3A_1074 : i32 to vector<16xi32>
      %sub3A_1076 = arith.subi %add3A_931, %sub3A_1075 : vector<16xi32>
      %max3A_1077 = arith.constant 0 : i32
      %max3A_1078 = vector.broadcast %max3A_1077 : i32 to vector<16xi32>
      %max3A_1079 = arith.maxsi %sub3A_1076, %max3A_1078 : vector<16xi32>
      %min3A_1080 = arith.constant 1 : i32
      %min3A_1081 = vector.broadcast %min3A_1080 : i32 to vector<16xi32>
      %min3A_1082 = arith.minsi %max3A_1079, %min3A_1081 : vector<16xi32>
      %add3A_1083 = arith.addi %add3A_1073, %min3A_1082 : vector<16xi32>
      %min3A_1084 = arith.constant 15 : i32
      %min3A_1085 = vector.broadcast %min3A_1084 : i32 to vector<16xi32>
      %min3A_1086 = arith.minsi %add3A_931, %min3A_1085 : vector<16xi32>
      %reshape3A_1087 = vector.shape_cast %min3A_1086 : vector<16xi32> to vector<16x1xi32>
      %gather3A_1088 = vector.shape_cast %reshape3A_1087 : vector<16x1xi32> to vector<16xi32>
      %gather3A_1089 = tpu.dynamic_gather %get3A_2[%gather3A_1088] in [0] : vector<16xf32>, vector<16xi32> -> vector<16xf32>
      %reshape3A_1090 = vector.shape_cast %add3A_1083 : vector<16xi32> to vector<16x1xi32>
      %gather3A_1091 = vector.shape_cast %reshape3A_1090 : vector<16x1xi32> to vector<16xi32>
      %gather3A_1092 = tpu.dynamic_gather %get3A_5[%gather3A_1091] in [0] : vector<16xf32>, vector<16xi32> -> vector<16xf32>
      %ge3A_1093 = arith.constant 1 : i32
      %ge3A_1094 = vector.broadcast %ge3A_1093 : i32 to vector<16xi32>
      %ge3A_1095 = arith.cmpi sge, %add3A_931, %ge3A_1094 : vector<16xi32>
      %lt3A_1096 = arith.constant 16 : i32
      %lt3A_1097 = vector.broadcast %lt3A_1096 : i32 to vector<16xi32>
      %lt3A_1098 = arith.cmpi slt, %add3A_931, %lt3A_1097 : vector<16xi32>
      %and3A_1099 = arith.andi %ge3A_1095, %lt3A_1098 : vector<16xi1>
      %select_n3A_1100 = arith.select %and3A_1099, %gather3A_1089, %gather3A_1092 : vector<16xi1>, vector<16xf32>
      %mul3A_1101 = arith.constant 16 : i32
      %mul3A_1102 = arith.muli %scan3A_926, %mul3A_1101 : i32
      %add3A_1103 = arith.constant 2048 : i32
      %add3A_1104 = arith.addi %add3A_1103, %mul3A_1102 : i32
      %swap3A_1105 = arith.index_cast %add3A_1104 : i32 to index
      %swap3A_1106 = tpu.vector_load %arg5[%swap3A_1105] {strides = array<i32>} : memref<4096xf32, #tpu.memory_space<vmem>>, vector<16xf32>,
      %swap3A_1107 = vector.shape_cast %swap3A_1106 : vector<16xf32> to vector<16xf32>
      %swap3A_1108 = vector.shape_cast %select_n3A_1100 : vector<16xf32> to vector<16xf32>
      tpu.vector_store %arg5[%swap3A_1105], %swap3A_1108 {strides = array<i32>} : memref<4096xf32, #tpu.memory_space<vmem>>, vector<16xf32>,
      %scan3A_1109 = arith.constant 6 : i32
      %scan3A_1110 = arith.addi %scan3A_19, %scan3A_1109 : i32
      %mul3A_1111 = arith.constant 16 : i32
      %mul3A_1112 = arith.muli %scan3A_1110, %mul3A_1111 : i32
      %iota3A_1113 = tpu.iota {dimensions = array<i32: 0>} : vector<16xi32>
      %add3A_1114 = vector.broadcast %mul3A_1112 : i32 to vector<16xi32>
      %add3A_1115 = arith.addi %add3A_1114, %iota3A_1113 : vector<16xi32>
      %broadcast_in_dim3A_1116 = arith.constant 0 : i32
      %broadcast_in_dim3A_1117 = vector.broadcast %broadcast_in_dim3A_1116 : i32 to vector<16xi32>
      %sub3A_1118 = arith.constant 18 : i32
      %sub3A_1119 = vector.broadcast %sub3A_1118 : i32 to vector<16xi32>
      %sub3A_1120 = arith.subi %add3A_1115, %sub3A_1119 : vector<16xi32>
      %max3A_1121 = arith.constant 0 : i32
      %max3A_1122 = vector.broadcast %max3A_1121 : i32 to vector<16xi32>
      %max3A_1123 = arith.maxsi %sub3A_1120, %max3A_1122 : vector<16xi32>
      %min3A_1124 = arith.constant 1 : i32
      %min3A_1125 = vector.broadcast %min3A_1124 : i32 to vector<16xi32>
      %min3A_1126 = arith.minsi %max3A_1123, %min3A_1125 : vector<16xi32>
      %add3A_1127 = arith.addi %broadcast_in_dim3A_1117, %min3A_1126 : vector<16xi32>
      %sub3A_1128 = arith.constant 20 : i32
      %sub3A_1129 = vector.broadcast %sub3A_1128 : i32 to vector<16xi32>
      %sub3A_1130 = arith.subi %add3A_1115, %sub3A_1129 : vector<16xi32>
      %max3A_1131 = arith.constant 0 : i32
      %max3A_1132 = vector.broadcast %max3A_1131 : i32 to vector<16xi32>
      %max3A_1133 = arith.maxsi %sub3A_1130, %max3A_1132 : vector<16xi32>
      %min3A_1134 = arith.constant 1 : i32
      %min3A_1135 = vector.broadcast %min3A_1134 : i32 to vector<16xi32>
      %min3A_1136 = arith.minsi %max3A_1133, %min3A_1135 : vector<16xi32>
      %add3A_1137 = arith.addi %add3A_1127, %min3A_1136 : vector<16xi32>
      %sub3A_1138 = arith.constant 23 : i32
      %sub3A_1139 = vector.broadcast %sub3A_1138 : i32 to vector<16xi32>
      %sub3A_1140 = arith.subi %add3A_1115, %sub3A_1139 : vector<16xi32>
      %max3A_1141 = arith.constant 0 : i32
      %max3A_1142 = vector.broadcast %max3A_1141 : i32 to vector<16xi32>
      %max3A_1143 = arith.maxsi %sub3A_1140, %max3A_1142 : vector<16xi32>
      %min3A_1144 = arith.constant 1 : i32
      %min3A_1145 = vector.broadcast %min3A_1144 : i32 to vector<16xi32>
      %min3A_1146 = arith.minsi %max3A_1143, %min3A_1145 : vector<16xi32>
      %add3A_1147 = arith.addi %add3A_1137, %min3A_1146 : vector<16xi32>
      %sub3A_1148 = arith.constant 26 : i32
      %sub3A_1149 = vector.broadcast %sub3A_1148 : i32 to vector<16xi32>
      %sub3A_1150 = arith.subi %add3A_1115, %sub3A_1149 : vector<16xi32>
      %max3A_1151 = arith.constant 0 : i32
      %max3A_1152 = vector.broadcast %max3A_1151 : i32 to vector<16xi32>
      %max3A_1153 = arith.maxsi %sub3A_1150, %max3A_1152 : vector<16xi32>
      %min3A_1154 = arith.constant 1 : i32
      %min3A_1155 = vector.broadcast %min3A_1154 : i32 to vector<16xi32>
      %min3A_1156 = arith.minsi %max3A_1153, %min3A_1155 : vector<16xi32>
      %add3A_1157 = arith.addi %add3A_1147, %min3A_1156 : vector<16xi32>
      %sub3A_1158 = arith.constant 30 : i32
      %sub3A_1159 = vector.broadcast %sub3A_1158 : i32 to vector<16xi32>
      %sub3A_1160 = arith.subi %add3A_1115, %sub3A_1159 : vector<16xi32>
      %max3A_1161 = arith.constant 0 : i32
      %max3A_1162 = vector.broadcast %max3A_1161 : i32 to vector<16xi32>
      %max3A_1163 = arith.maxsi %sub3A_1160, %max3A_1162 : vector<16xi32>
      %min3A_1164 = arith.constant 1 : i32
      %min3A_1165 = vector.broadcast %min3A_1164 : i32 to vector<16xi32>
      %min3A_1166 = arith.minsi %max3A_1163, %min3A_1165 : vector<16xi32>
      %add3A_1167 = arith.addi %add3A_1157, %min3A_1166 : vector<16xi32>
      %sub3A_1168 = arith.constant 34 : i32
      %sub3A_1169 = vector.broadcast %sub3A_1168 : i32 to vector<16xi32>
      %sub3A_1170 = arith.subi %add3A_1115, %sub3A_1169 : vector<16xi32>
      %max3A_1171 = arith.constant 0 : i32
      %max3A_1172 = vector.broadcast %max3A_1171 : i32 to vector<16xi32>
      %max3A_1173 = arith.maxsi %sub3A_1170, %max3A_1172 : vector<16xi32>
      %min3A_1174 = arith.constant 1 : i32
      %min3A_1175 = vector.broadcast %min3A_1174 : i32 to vector<16xi32>
      %min3A_1176 = arith.minsi %max3A_1173, %min3A_1175 : vector<16xi32>
      %add3A_1177 = arith.addi %add3A_1167, %min3A_1176 : vector<16xi32>
      %sub3A_1178 = arith.constant 39 : i32
      %sub3A_1179 = vector.broadcast %sub3A_1178 : i32 to vector<16xi32>
      %sub3A_1180 = arith.subi %add3A_1115, %sub3A_1179 : vector<16xi32>
      %max3A_1181 = arith.constant 0 : i32
      %max3A_1182 = vector.broadcast %max3A_1181 : i32 to vector<16xi32>
      %max3A_1183 = arith.maxsi %sub3A_1180, %max3A_1182 : vector<16xi32>
      %min3A_1184 = arith.constant 1 : i32
      %min3A_1185 = vector.broadcast %min3A_1184 : i32 to vector<16xi32>
      %min3A_1186 = arith.minsi %max3A_1183, %min3A_1185 : vector<16xi32>
      %add3A_1187 = arith.addi %add3A_1177, %min3A_1186 : vector<16xi32>
      %sub3A_1188 = arith.constant 45 : i32
      %sub3A_1189 = vector.broadcast %sub3A_1188 : i32 to vector<16xi32>
      %sub3A_1190 = arith.subi %add3A_1115, %sub3A_1189 : vector<16xi32>
      %max3A_1191 = arith.constant 0 : i32
      %max3A_1192 = vector.broadcast %max3A_1191 : i32 to vector<16xi32>
      %max3A_1193 = arith.maxsi %sub3A_1190, %max3A_1192 : vector<16xi32>
      %min3A_1194 = arith.constant 1 : i32
      %min3A_1195 = vector.broadcast %min3A_1194 : i32 to vector<16xi32>
      %min3A_1196 = arith.minsi %max3A_1193, %min3A_1195 : vector<16xi32>
      %add3A_1197 = arith.addi %add3A_1187, %min3A_1196 : vector<16xi32>
      %sub3A_1198 = arith.constant 51 : i32
      %sub3A_1199 = vector.broadcast %sub3A_1198 : i32 to vector<16xi32>
      %sub3A_1200 = arith.subi %add3A_1115, %sub3A_1199 : vector<16xi32>
      %max3A_1201 = arith.constant 0 : i32
      %max3A_1202 = vector.broadcast %max3A_1201 : i32 to vector<16xi32>
      %max3A_1203 = arith.maxsi %sub3A_1200, %max3A_1202 : vector<16xi32>
      %min3A_1204 = arith.constant 1 : i32
      %min3A_1205 = vector.broadcast %min3A_1204 : i32 to vector<16xi32>
      %min3A_1206 = arith.minsi %max3A_1203, %min3A_1205 : vector<16xi32>
      %add3A_1207 = arith.addi %add3A_1197, %min3A_1206 : vector<16xi32>
      %sub3A_1208 = arith.constant 58 : i32
      %sub3A_1209 = vector.broadcast %sub3A_1208 : i32 to vector<16xi32>
      %sub3A_1210 = arith.subi %add3A_1115, %sub3A_1209 : vector<16xi32>
      %max3A_1211 = arith.constant 0 : i32
      %max3A_1212 = vector.broadcast %max3A_1211 : i32 to vector<16xi32>
      %max3A_1213 = arith.maxsi %sub3A_1210, %max3A_1212 : vector<16xi32>
      %min3A_1214 = arith.constant 1 : i32
      %min3A_1215 = vector.broadcast %min3A_1214 : i32 to vector<16xi32>
      %min3A_1216 = arith.minsi %max3A_1213, %min3A_1215 : vector<16xi32>
      %add3A_1217 = arith.addi %add3A_1207, %min3A_1216 : vector<16xi32>
      %sub3A_1218 = arith.constant 66 : i32
      %sub3A_1219 = vector.broadcast %sub3A_1218 : i32 to vector<16xi32>
      %sub3A_1220 = arith.subi %add3A_1115, %sub3A_1219 : vector<16xi32>
      %max3A_1221 = arith.constant 0 : i32
      %max3A_1222 = vector.broadcast %max3A_1221 : i32 to vector<16xi32>
      %max3A_1223 = arith.maxsi %sub3A_1220, %max3A_1222 : vector<16xi32>
      %min3A_1224 = arith.constant 1 : i32
      %min3A_1225 = vector.broadcast %min3A_1224 : i32 to vector<16xi32>
      %min3A_1226 = arith.minsi %max3A_1223, %min3A_1225 : vector<16xi32>
      %add3A_1227 = arith.addi %add3A_1217, %min3A_1226 : vector<16xi32>
      %sub3A_1228 = arith.constant 76 : i32
      %sub3A_1229 = vector.broadcast %sub3A_1228 : i32 to vector<16xi32>
      %sub3A_1230 = arith.subi %add3A_1115, %sub3A_1229 : vector<16xi32>
      %max3A_1231 = arith.constant 0 : i32
      %max3A_1232 = vector.broadcast %max3A_1231 : i32 to vector<16xi32>
      %max3A_1233 = arith.maxsi %sub3A_1230, %max3A_1232 : vector<16xi32>
      %min3A_1234 = arith.constant 1 : i32
      %min3A_1235 = vector.broadcast %min3A_1234 : i32 to vector<16xi32>
      %min3A_1236 = arith.minsi %max3A_1233, %min3A_1235 : vector<16xi32>
      %add3A_1237 = arith.addi %add3A_1227, %min3A_1236 : vector<16xi32>
      %sub3A_1238 = arith.constant 86 : i32
      %sub3A_1239 = vector.broadcast %sub3A_1238 : i32 to vector<16xi32>
      %sub3A_1240 = arith.subi %add3A_1115, %sub3A_1239 : vector<16xi32>
      %max3A_1241 = arith.constant 0 : i32
      %max3A_1242 = vector.broadcast %max3A_1241 : i32 to vector<16xi32>
      %max3A_1243 = arith.maxsi %sub3A_1240, %max3A_1242 : vector<16xi32>
      %min3A_1244 = arith.constant 1 : i32
      %min3A_1245 = vector.broadcast %min3A_1244 : i32 to vector<16xi32>
      %min3A_1246 = arith.minsi %max3A_1243, %min3A_1245 : vector<16xi32>
      %add3A_1247 = arith.addi %add3A_1237, %min3A_1246 : vector<16xi32>
      %sub3A_1248 = arith.constant 98 : i32
      %sub3A_1249 = vector.broadcast %sub3A_1248 : i32 to vector<16xi32>
      %sub3A_1250 = arith.subi %add3A_1115, %sub3A_1249 : vector<16xi32>
      %max3A_1251 = arith.constant 0 : i32
      %max3A_1252 = vector.broadcast %max3A_1251 : i32 to vector<16xi32>
      %max3A_1253 = arith.maxsi %sub3A_1250, %max3A_1252 : vector<16xi32>
      %min3A_1254 = arith.constant 1 : i32
      %min3A_1255 = vector.broadcast %min3A_1254 : i32 to vector<16xi32>
      %min3A_1256 = arith.minsi %max3A_1253, %min3A_1255 : vector<16xi32>
      %add3A_1257 = arith.addi %add3A_1247, %min3A_1256 : vector<16xi32>
      %sub3A_1258 = arith.constant 112 : i32
      %sub3A_1259 = vector.broadcast %sub3A_1258 : i32 to vector<16xi32>
      %sub3A_1260 = arith.subi %add3A_1115, %sub3A_1259 : vector<16xi32>
      %max3A_1261 = arith.constant 0 : i32
      %max3A_1262 = vector.broadcast %max3A_1261 : i32 to vector<16xi32>
      %max3A_1263 = arith.maxsi %sub3A_1260, %max3A_1262 : vector<16xi32>
      %min3A_1264 = arith.constant 1 : i32
      %min3A_1265 = vector.broadcast %min3A_1264 : i32 to vector<16xi32>
      %min3A_1266 = arith.minsi %max3A_1263, %min3A_1265 : vector<16xi32>
      %add3A_1267 = arith.addi %add3A_1257, %min3A_1266 : vector<16xi32>
      %min3A_1268 = arith.constant 15 : i32
      %min3A_1269 = vector.broadcast %min3A_1268 : i32 to vector<16xi32>
      %min3A_1270 = arith.minsi %add3A_1115, %min3A_1269 : vector<16xi32>
      %reshape3A_1271 = vector.shape_cast %min3A_1270 : vector<16xi32> to vector<16x1xi32>
      %gather3A_1272 = vector.shape_cast %reshape3A_1271 : vector<16x1xi32> to vector<16xi32>
      %gather3A_1273 = tpu.dynamic_gather %get3A_2[%gather3A_1272] in [0] : vector<16xf32>, vector<16xi32> -> vector<16xf32>
      %reshape3A_1274 = vector.shape_cast %add3A_1267 : vector<16xi32> to vector<16x1xi32>
      %gather3A_1275 = vector.shape_cast %reshape3A_1274 : vector<16x1xi32> to vector<16xi32>
      %gather3A_1276 = tpu.dynamic_gather %get3A_5[%gather3A_1275] in [0] : vector<16xf32>, vector<16xi32> -> vector<16xf32>
      %ge3A_1277 = arith.constant 1 : i32
      %ge3A_1278 = vector.broadcast %ge3A_1277 : i32 to vector<16xi32>
      %ge3A_1279 = arith.cmpi sge, %add3A_1115, %ge3A_1278 : vector<16xi32>
      %lt3A_1280 = arith.constant 16 : i32
      %lt3A_1281 = vector.broadcast %lt3A_1280 : i32 to vector<16xi32>
      %lt3A_1282 = arith.cmpi slt, %add3A_1115, %lt3A_1281 : vector<16xi32>
      %and3A_1283 = arith.andi %ge3A_1279, %lt3A_1282 : vector<16xi1>
      %select_n3A_1284 = arith.select %and3A_1283, %gather3A_1273, %gather3A_1276 : vector<16xi1>, vector<16xf32>
      %mul3A_1285 = arith.constant 16 : i32
      %mul3A_1286 = arith.muli %scan3A_1110, %mul3A_1285 : i32
      %add3A_1287 = arith.constant 2048 : i32
      %add3A_1288 = arith.addi %add3A_1287, %mul3A_1286 : i32
      %swap3A_1289 = arith.index_cast %add3A_1288 : i32 to index
      %swap3A_1290 = tpu.vector_load %arg5[%swap3A_1289] {strides = array<i32>} : memref<4096xf32, #tpu.memory_space<vmem>>, vector<16xf32>,
      %swap3A_1291 = vector.shape_cast %swap3A_1290 : vector<16xf32> to vector<16xf32>
      %swap3A_1292 = vector.shape_cast %select_n3A_1284 : vector<16xf32> to vector<16xf32>
      tpu.vector_store %arg5[%swap3A_1289], %swap3A_1292 {strides = array<i32>} : memref<4096xf32, #tpu.memory_space<vmem>>, vector<16xf32>,
      %scan3A_1293 = arith.constant 7 : i32
      %scan3A_1294 = arith.addi %scan3A_19, %scan3A_1293 : i32
      %mul3A_1295 = arith.constant 16 : i32
      %mul3A_1296 = arith.muli %scan3A_1294, %mul3A_1295 : i32
      %iota3A_1297 = tpu.iota {dimensions = array<i32: 0>} : vector<16xi32>
      %add3A_1298 = vector.broadcast %mul3A_1296 : i32 to vector<16xi32>
      %add3A_1299 = arith.addi %add3A_1298, %iota3A_1297 : vector<16xi32>
      %broadcast_in_dim3A_1300 = arith.constant 0 : i32
      %broadcast_in_dim3A_1301 = vector.broadcast %broadcast_in_dim3A_1300 : i32 to vector<16xi32>
      %sub3A_1302 = arith.constant 18 : i32
      %sub3A_1303 = vector.broadcast %sub3A_1302 : i32 to vector<16xi32>
      %sub3A_1304 = arith.subi %add3A_1299, %sub3A_1303 : vector<16xi32>
      %max3A_1305 = arith.constant 0 : i32
      %max3A_1306 = vector.broadcast %max3A_1305 : i32 to vector<16xi32>
      %max3A_1307 = arith.maxsi %sub3A_1304, %max3A_1306 : vector<16xi32>
      %min3A_1308 = arith.constant 1 : i32
      %min3A_1309 = vector.broadcast %min3A_1308 : i32 to vector<16xi32>
      %min3A_1310 = arith.minsi %max3A_1307, %min3A_1309 : vector<16xi32>
      %add3A_1311 = arith.addi %broadcast_in_dim3A_1301, %min3A_1310 : vector<16xi32>
      %sub3A_1312 = arith.constant 20 : i32
      %sub3A_1313 = vector.broadcast %sub3A_1312 : i32 to vector<16xi32>
      %sub3A_1314 = arith.subi %add3A_1299, %sub3A_1313 : vector<16xi32>
      %max3A_1315 = arith.constant 0 : i32
      %max3A_1316 = vector.broadcast %max3A_1315 : i32 to vector<16xi32>
      %max3A_1317 = arith.maxsi %sub3A_1314, %max3A_1316 : vector<16xi32>
      %min3A_1318 = arith.constant 1 : i32
      %min3A_1319 = vector.broadcast %min3A_1318 : i32 to vector<16xi32>
      %min3A_1320 = arith.minsi %max3A_1317, %min3A_1319 : vector<16xi32>
      %add3A_1321 = arith.addi %add3A_1311, %min3A_1320 : vector<16xi32>
      %sub3A_1322 = arith.constant 23 : i32
      %sub3A_1323 = vector.broadcast %sub3A_1322 : i32 to vector<16xi32>
      %sub3A_1324 = arith.subi %add3A_1299, %sub3A_1323 : vector<16xi32>
      %max3A_1325 = arith.constant 0 : i32
      %max3A_1326 = vector.broadcast %max3A_1325 : i32 to vector<16xi32>
      %max3A_1327 = arith.maxsi %sub3A_1324, %max3A_1326 : vector<16xi32>
      %min3A_1328 = arith.constant 1 : i32
      %min3A_1329 = vector.broadcast %min3A_1328 : i32 to vector<16xi32>
      %min3A_1330 = arith.minsi %max3A_1327, %min3A_1329 : vector<16xi32>
      %add3A_1331 = arith.addi %add3A_1321, %min3A_1330 : vector<16xi32>
      %sub3A_1332 = arith.constant 26 : i32
      %sub3A_1333 = vector.broadcast %sub3A_1332 : i32 to vector<16xi32>
      %sub3A_1334 = arith.subi %add3A_1299, %sub3A_1333 : vector<16xi32>
      %max3A_1335 = arith.constant 0 : i32
      %max3A_1336 = vector.broadcast %max3A_1335 : i32 to vector<16xi32>
      %max3A_1337 = arith.maxsi %sub3A_1334, %max3A_1336 : vector<16xi32>
      %min3A_1338 = arith.constant 1 : i32
      %min3A_1339 = vector.broadcast %min3A_1338 : i32 to vector<16xi32>
      %min3A_1340 = arith.minsi %max3A_1337, %min3A_1339 : vector<16xi32>
      %add3A_1341 = arith.addi %add3A_1331, %min3A_1340 : vector<16xi32>
      %sub3A_1342 = arith.constant 30 : i32
      %sub3A_1343 = vector.broadcast %sub3A_1342 : i32 to vector<16xi32>
      %sub3A_1344 = arith.subi %add3A_1299, %sub3A_1343 : vector<16xi32>
      %max3A_1345 = arith.constant 0 : i32
      %max3A_1346 = vector.broadcast %max3A_1345 : i32 to vector<16xi32>
      %max3A_1347 = arith.maxsi %sub3A_1344, %max3A_1346 : vector<16xi32>
      %min3A_1348 = arith.constant 1 : i32
      %min3A_1349 = vector.broadcast %min3A_1348 : i32 to vector<16xi32>
      %min3A_1350 = arith.minsi %max3A_1347, %min3A_1349 : vector<16xi32>
      %add3A_1351 = arith.addi %add3A_1341, %min3A_1350 : vector<16xi32>
      %sub3A_1352 = arith.constant 34 : i32
      %sub3A_1353 = vector.broadcast %sub3A_1352 : i32 to vector<16xi32>
      %sub3A_1354 = arith.subi %add3A_1299, %sub3A_1353 : vector<16xi32>
      %max3A_1355 = arith.constant 0 : i32
      %max3A_1356 = vector.broadcast %max3A_1355 : i32 to vector<16xi32>
      %max3A_1357 = arith.maxsi %sub3A_1354, %max3A_1356 : vector<16xi32>
      %min3A_1358 = arith.constant 1 : i32
      %min3A_1359 = vector.broadcast %min3A_1358 : i32 to vector<16xi32>
      %min3A_1360 = arith.minsi %max3A_1357, %min3A_1359 : vector<16xi32>
      %add3A_1361 = arith.addi %add3A_1351, %min3A_1360 : vector<16xi32>
      %sub3A_1362 = arith.constant 39 : i32
      %sub3A_1363 = vector.broadcast %sub3A_1362 : i32 to vector<16xi32>
      %sub3A_1364 = arith.subi %add3A_1299, %sub3A_1363 : vector<16xi32>
      %max3A_1365 = arith.constant 0 : i32
      %max3A_1366 = vector.broadcast %max3A_1365 : i32 to vector<16xi32>
      %max3A_1367 = arith.maxsi %sub3A_1364, %max3A_1366 : vector<16xi32>
      %min3A_1368 = arith.constant 1 : i32
      %min3A_1369 = vector.broadcast %min3A_1368 : i32 to vector<16xi32>
      %min3A_1370 = arith.minsi %max3A_1367, %min3A_1369 : vector<16xi32>
      %add3A_1371 = arith.addi %add3A_1361, %min3A_1370 : vector<16xi32>
      %sub3A_1372 = arith.constant 45 : i32
      %sub3A_1373 = vector.broadcast %sub3A_1372 : i32 to vector<16xi32>
      %sub3A_1374 = arith.subi %add3A_1299, %sub3A_1373 : vector<16xi32>
      %max3A_1375 = arith.constant 0 : i32
      %max3A_1376 = vector.broadcast %max3A_1375 : i32 to vector<16xi32>
      %max3A_1377 = arith.maxsi %sub3A_1374, %max3A_1376 : vector<16xi32>
      %min3A_1378 = arith.constant 1 : i32
      %min3A_1379 = vector.broadcast %min3A_1378 : i32 to vector<16xi32>
      %min3A_1380 = arith.minsi %max3A_1377, %min3A_1379 : vector<16xi32>
      %add3A_1381 = arith.addi %add3A_1371, %min3A_1380 : vector<16xi32>
      %sub3A_1382 = arith.constant 51 : i32
      %sub3A_1383 = vector.broadcast %sub3A_1382 : i32 to vector<16xi32>
      %sub3A_1384 = arith.subi %add3A_1299, %sub3A_1383 : vector<16xi32>
      %max3A_1385 = arith.constant 0 : i32
      %max3A_1386 = vector.broadcast %max3A_1385 : i32 to vector<16xi32>
      %max3A_1387 = arith.maxsi %sub3A_1384, %max3A_1386 : vector<16xi32>
      %min3A_1388 = arith.constant 1 : i32
      %min3A_1389 = vector.broadcast %min3A_1388 : i32 to vector<16xi32>
      %min3A_1390 = arith.minsi %max3A_1387, %min3A_1389 : vector<16xi32>
      %add3A_1391 = arith.addi %add3A_1381, %min3A_1390 : vector<16xi32>
      %sub3A_1392 = arith.constant 58 : i32
      %sub3A_1393 = vector.broadcast %sub3A_1392 : i32 to vector<16xi32>
      %sub3A_1394 = arith.subi %add3A_1299, %sub3A_1393 : vector<16xi32>
      %max3A_1395 = arith.constant 0 : i32
      %max3A_1396 = vector.broadcast %max3A_1395 : i32 to vector<16xi32>
      %max3A_1397 = arith.maxsi %sub3A_1394, %max3A_1396 : vector<16xi32>
      %min3A_1398 = arith.constant 1 : i32
      %min3A_1399 = vector.broadcast %min3A_1398 : i32 to vector<16xi32>
      %min3A_1400 = arith.minsi %max3A_1397, %min3A_1399 : vector<16xi32>
      %add3A_1401 = arith.addi %add3A_1391, %min3A_1400 : vector<16xi32>
      %sub3A_1402 = arith.constant 66 : i32
      %sub3A_1403 = vector.broadcast %sub3A_1402 : i32 to vector<16xi32>
      %sub3A_1404 = arith.subi %add3A_1299, %sub3A_1403 : vector<16xi32>
      %max3A_1405 = arith.constant 0 : i32
      %max3A_1406 = vector.broadcast %max3A_1405 : i32 to vector<16xi32>
      %max3A_1407 = arith.maxsi %sub3A_1404, %max3A_1406 : vector<16xi32>
      %min3A_1408 = arith.constant 1 : i32
      %min3A_1409 = vector.broadcast %min3A_1408 : i32 to vector<16xi32>
      %min3A_1410 = arith.minsi %max3A_1407, %min3A_1409 : vector<16xi32>
      %add3A_1411 = arith.addi %add3A_1401, %min3A_1410 : vector<16xi32>
      %sub3A_1412 = arith.constant 76 : i32
      %sub3A_1413 = vector.broadcast %sub3A_1412 : i32 to vector<16xi32>
      %sub3A_1414 = arith.subi %add3A_1299, %sub3A_1413 : vector<16xi32>
      %max3A_1415 = arith.constant 0 : i32
      %max3A_1416 = vector.broadcast %max3A_1415 : i32 to vector<16xi32>
      %max3A_1417 = arith.maxsi %sub3A_1414, %max3A_1416 : vector<16xi32>
      %min3A_1418 = arith.constant 1 : i32
      %min3A_1419 = vector.broadcast %min3A_1418 : i32 to vector<16xi32>
      %min3A_1420 = arith.minsi %max3A_1417, %min3A_1419 : vector<16xi32>
      %add3A_1421 = arith.addi %add3A_1411, %min3A_1420 : vector<16xi32>
      %sub3A_1422 = arith.constant 86 : i32
      %sub3A_1423 = vector.broadcast %sub3A_1422 : i32 to vector<16xi32>
      %sub3A_1424 = arith.subi %add3A_1299, %sub3A_1423 : vector<16xi32>
      %max3A_1425 = arith.constant 0 : i32
      %max3A_1426 = vector.broadcast %max3A_1425 : i32 to vector<16xi32>
      %max3A_1427 = arith.maxsi %sub3A_1424, %max3A_1426 : vector<16xi32>
      %min3A_1428 = arith.constant 1 : i32
      %min3A_1429 = vector.broadcast %min3A_1428 : i32 to vector<16xi32>
      %min3A_1430 = arith.minsi %max3A_1427, %min3A_1429 : vector<16xi32>
      %add3A_1431 = arith.addi %add3A_1421, %min3A_1430 : vector<16xi32>
      %sub3A_1432 = arith.constant 98 : i32
      %sub3A_1433 = vector.broadcast %sub3A_1432 : i32 to vector<16xi32>
      %sub3A_1434 = arith.subi %add3A_1299, %sub3A_1433 : vector<16xi32>
      %max3A_1435 = arith.constant 0 : i32
      %max3A_1436 = vector.broadcast %max3A_1435 : i32 to vector<16xi32>
      %max3A_1437 = arith.maxsi %sub3A_1434, %max3A_1436 : vector<16xi32>
      %min3A_1438 = arith.constant 1 : i32
      %min3A_1439 = vector.broadcast %min3A_1438 : i32 to vector<16xi32>
      %min3A_1440 = arith.minsi %max3A_1437, %min3A_1439 : vector<16xi32>
      %add3A_1441 = arith.addi %add3A_1431, %min3A_1440 : vector<16xi32>
      %sub3A_1442 = arith.constant 112 : i32
      %sub3A_1443 = vector.broadcast %sub3A_1442 : i32 to vector<16xi32>
      %sub3A_1444 = arith.subi %add3A_1299, %sub3A_1443 : vector<16xi32>
      %max3A_1445 = arith.constant 0 : i32
      %max3A_1446 = vector.broadcast %max3A_1445 : i32 to vector<16xi32>
      %max3A_1447 = arith.maxsi %sub3A_1444, %max3A_1446 : vector<16xi32>
      %min3A_1448 = arith.constant 1 : i32
      %min3A_1449 = vector.broadcast %min3A_1448 : i32 to vector<16xi32>
      %min3A_1450 = arith.minsi %max3A_1447, %min3A_1449 : vector<16xi32>
      %add3A_1451 = arith.addi %add3A_1441, %min3A_1450 : vector<16xi32>
      %min3A_1452 = arith.constant 15 : i32
      %min3A_1453 = vector.broadcast %min3A_1452 : i32 to vector<16xi32>
      %min3A_1454 = arith.minsi %add3A_1299, %min3A_1453 : vector<16xi32>
      %reshape3A_1455 = vector.shape_cast %min3A_1454 : vector<16xi32> to vector<16x1xi32>
      %gather3A_1456 = vector.shape_cast %reshape3A_1455 : vector<16x1xi32> to vector<16xi32>
      %gather3A_1457 = tpu.dynamic_gather %get3A_2[%gather3A_1456] in [0] : vector<16xf32>, vector<16xi32> -> vector<16xf32>
      %reshape3A_1458 = vector.shape_cast %add3A_1451 : vector<16xi32> to vector<16x1xi32>
      %gather3A_1459 = vector.shape_cast %reshape3A_1458 : vector<16x1xi32> to vector<16xi32>
      %gather3A_1460 = tpu.dynamic_gather %get3A_5[%gather3A_1459] in [0] : vector<16xf32>, vector<16xi32> -> vector<16xf32>
      %ge3A_1461 = arith.constant 1 : i32
      %ge3A_1462 = vector.broadcast %ge3A_1461 : i32 to vector<16xi32>
      %ge3A_1463 = arith.cmpi sge, %add3A_1299, %ge3A_1462 : vector<16xi32>
      %lt3A_1464 = arith.constant 16 : i32
      %lt3A_1465 = vector.broadcast %lt3A_1464 : i32 to vector<16xi32>
      %lt3A_1466 = arith.cmpi slt, %add3A_1299, %lt3A_1465 : vector<16xi32>
      %and3A_1467 = arith.andi %ge3A_1463, %lt3A_1466 : vector<16xi1>
      %select_n3A_1468 = arith.select %and3A_1467, %gather3A_1457, %gather3A_1460 : vector<16xi1>, vector<16xf32>
      %mul3A_1469 = arith.constant 16 : i32
      %mul3A_1470 = arith.muli %scan3A_1294, %mul3A_1469 : i32
      %add3A_1471 = arith.constant 2048 : i32
      %add3A_1472 = arith.addi %add3A_1471, %mul3A_1470 : i32
      %swap3A_1473 = arith.index_cast %add3A_1472 : i32 to index
      %swap3A_1474 = tpu.vector_load %arg5[%swap3A_1473] {strides = array<i32>} : memref<4096xf32, #tpu.memory_space<vmem>>, vector<16xf32>,
      %swap3A_1475 = vector.shape_cast %swap3A_1474 : vector<16xf32> to vector<16xf32>
      %swap3A_1476 = vector.shape_cast %select_n3A_1468 : vector<16xf32> to vector<16xf32>
      tpu.vector_store %arg5[%swap3A_1473], %swap3A_1476 {strides = array<i32>} : memref<4096xf32, #tpu.memory_space<vmem>>, vector<16xf32>,
    }
    %scan3A_16 = arith.constant 128 : i32
    %mul3A_17 = arith.constant 4096 : i32
    %mul3A_18 = arith.muli %arg1, %mul3A_17 : i32
    "tpu.region"() ({
      %run_scoped3A = tpu.sem_alloc : memref<!tpu.dma_semaphore, #tpu.memory_space<semaphore_mem>>
      %dma_start3A = tpu.memref_slice %arg3[%mul3A_18] : memref<65536xf32, #tpu.memory_space<hbm>> -> memref<4096xf32, #tpu.memory_space<hbm>>
      %dma_start3A_19 = tpu.memref_slice %arg3[%mul3A_18] : memref<65536xf32, #tpu.memory_space<hbm>> -> memref<4096xf32, #tpu.memory_space<hbm>>
      tpu.enqueue_dma source(%arg5 : memref<4096xf32, #tpu.memory_space<vmem>>) target(%dma_start3A_19 : memref<4096xf32, #tpu.memory_space<hbm>>) target_semaphore(%run_scoped3A : memref<!tpu.dma_semaphore, #tpu.memory_space<semaphore_mem>>)
      %dma_wait3A = tpu.memref_slice %arg3[%mul3A_18] : memref<65536xf32, #tpu.memory_space<hbm>> -> memref<4096xf32, #tpu.memory_space<hbm>>
      %dma_wait3A_20 = tpu.memref_slice %arg3[%mul3A_18] : memref<65536xf32, #tpu.memory_space<hbm>> -> memref<4096xf32, #tpu.memory_space<hbm>>
      tpu.wait_dma2 semaphore(%run_scoped3A : memref<!tpu.dma_semaphore, #tpu.memory_space<semaphore_mem>>) src(%arg5 : memref<4096xf32, #tpu.memory_space<vmem>>) dst(%dma_wait3A_20 : memref<4096xf32, #tpu.memory_space<hbm>>)
      tpu.yield
    }) : () -> ()
    return
  }
}

module attributes {stable_mosaic.version = 14 : i64} {
  func.func @_expand_kernel(%arg0: i32, %arg1: memref<1x1x4096xf32, #tpu.memory_space<vmem>>, %arg2: memref<1x2048x2048xf32, #tpu.memory_space<vmem>>) attributes {dimension_semantics = [#tpu.dimension_semantics<parallel>], iteration_bounds = array<i64: 16>, scalar_prefetch = 0 : i64, scratch_operands = 0 : i64, tpu.core_type = #tpu.core_type<tc>, window_params = [{transform_indices = @transform_0, window_bounds = array<i64: 1, 1, 4096>}, {transform_indices = @transform_1, window_bounds = array<i64: 1, 2048, 2048>}]} {
    %get3A = arith.constant 0 : index
    %get3A_0 = arith.constant 0 : index
    %get3A_1 = arith.constant 0 : index
    %get3A_2 = vector.load %arg1[%get3A, %get3A_0, %get3A_1] : memref<1x1x4096xf32, #tpu.memory_space<vmem>>, vector<1x1x4096xf32>
    %get3A_3 = vector.shape_cast %get3A_2 : vector<1x1x4096xf32> to vector<4096xf32>
    %broadcast_in_dim3A = vector.shape_cast %get3A_3 : vector<4096xf32> to vector<1x4096xf32>
    %broadcast_in_dim3A_4 = vector.shape_cast %broadcast_in_dim3A : vector<1x4096xf32> to vector<1x4096xf32>
    %broadcast_in_dim3A_5 = vector.broadcast %broadcast_in_dim3A_4 : vector<1x4096xf32> to vector<512x4096xf32>
    %roll3A = arith.constant 0 : i32
    %roll3A_6 = tpu.dynamic_rotate %broadcast_in_dim3A_5 by %roll3A dim 1 {stride = 1 : si32, stride_dimension = 0 : si32} : vector<512x4096xf32>, i32 -> vector<512x4096xf32>
    %slice3A = vector.extract_strided_slice %roll3A_6 {offsets = [0, 2048], sizes = [512, 2048], strides = [1, 1]} : vector<512x4096xf32> to vector<512x2048xf32>
    %swap3A = arith.constant 0 : index
    %swap3A_7 = arith.constant 0 : index
    %swap3A_8 = arith.constant 0 : index
    %swap3A_9 = vector.load %arg2[%swap3A, %swap3A_7, %swap3A_8] : memref<1x2048x2048xf32, #tpu.memory_space<vmem>>, vector<1x512x2048xf32>
    %swap3A_10 = vector.shape_cast %swap3A_9 : vector<1x512x2048xf32> to vector<512x2048xf32>
    %swap3A_11 = vector.shape_cast %slice3A : vector<512x2048xf32> to vector<1x512x2048xf32>
    tpu.vector_store %arg2[%swap3A, %swap3A_7, %swap3A_8], %swap3A_11 {strides = array<i32>} : memref<1x2048x2048xf32, #tpu.memory_space<vmem>>, vector<1x512x2048xf32>,
    %broadcast_in_dim3A_12 = vector.shape_cast %broadcast_in_dim3A : vector<1x4096xf32> to vector<1x4096xf32>
    %broadcast_in_dim3A_13 = vector.broadcast %broadcast_in_dim3A_12 : vector<1x4096xf32> to vector<512x4096xf32>
    %roll3A_14 = arith.constant 512 : i32
    %roll3A_15 = tpu.dynamic_rotate %broadcast_in_dim3A_13 by %roll3A_14 dim 1 {stride = 1 : si32, stride_dimension = 0 : si32} : vector<512x4096xf32>, i32 -> vector<512x4096xf32>
    %slice3A_16 = vector.extract_strided_slice %roll3A_15 {offsets = [0, 2048], sizes = [512, 2048], strides = [1, 1]} : vector<512x4096xf32> to vector<512x2048xf32>
    %swap3A_17 = arith.constant 0 : index
    %swap3A_18 = arith.constant 512 : index
    %swap3A_19 = arith.constant 0 : index
    %swap3A_20 = vector.load %arg2[%swap3A_17, %swap3A_18, %swap3A_19] : memref<1x2048x2048xf32, #tpu.memory_space<vmem>>, vector<1x512x2048xf32>
    %swap3A_21 = vector.shape_cast %swap3A_20 : vector<1x512x2048xf32> to vector<512x2048xf32>
    %swap3A_22 = vector.shape_cast %slice3A_16 : vector<512x2048xf32> to vector<1x512x2048xf32>
    tpu.vector_store %arg2[%swap3A_17, %swap3A_18, %swap3A_19], %swap3A_22 {strides = array<i32>} : memref<1x2048x2048xf32, #tpu.memory_space<vmem>>, vector<1x512x2048xf32>,
    %broadcast_in_dim3A_23 = vector.shape_cast %broadcast_in_dim3A : vector<1x4096xf32> to vector<1x4096xf32>
    %broadcast_in_dim3A_24 = vector.broadcast %broadcast_in_dim3A_23 : vector<1x4096xf32> to vector<512x4096xf32>
    %roll3A_25 = arith.constant 1024 : i32
    %roll3A_26 = tpu.dynamic_rotate %broadcast_in_dim3A_24 by %roll3A_25 dim 1 {stride = 1 : si32, stride_dimension = 0 : si32} : vector<512x4096xf32>, i32 -> vector<512x4096xf32>
    %slice3A_27 = vector.extract_strided_slice %roll3A_26 {offsets = [0, 2048], sizes = [512, 2048], strides = [1, 1]} : vector<512x4096xf32> to vector<512x2048xf32>
    %swap3A_28 = arith.constant 0 : index
    %swap3A_29 = arith.constant 1024 : index
    %swap3A_30 = arith.constant 0 : index
    %swap3A_31 = vector.load %arg2[%swap3A_28, %swap3A_29, %swap3A_30] : memref<1x2048x2048xf32, #tpu.memory_space<vmem>>, vector<1x512x2048xf32>
    %swap3A_32 = vector.shape_cast %swap3A_31 : vector<1x512x2048xf32> to vector<512x2048xf32>
    %swap3A_33 = vector.shape_cast %slice3A_27 : vector<512x2048xf32> to vector<1x512x2048xf32>
    tpu.vector_store %arg2[%swap3A_28, %swap3A_29, %swap3A_30], %swap3A_33 {strides = array<i32>} : memref<1x2048x2048xf32, #tpu.memory_space<vmem>>, vector<1x512x2048xf32>,
    %broadcast_in_dim3A_34 = vector.shape_cast %broadcast_in_dim3A : vector<1x4096xf32> to vector<1x4096xf32>
    %broadcast_in_dim3A_35 = vector.broadcast %broadcast_in_dim3A_34 : vector<1x4096xf32> to vector<512x4096xf32>
    %roll3A_36 = arith.constant 1536 : i32
    %roll3A_37 = tpu.dynamic_rotate %broadcast_in_dim3A_35 by %roll3A_36 dim 1 {stride = 1 : si32, stride_dimension = 0 : si32} : vector<512x4096xf32>, i32 -> vector<512x4096xf32>
    %slice3A_38 = vector.extract_strided_slice %roll3A_37 {offsets = [0, 2048], sizes = [512, 2048], strides = [1, 1]} : vector<512x4096xf32> to vector<512x2048xf32>
    %swap3A_39 = arith.constant 0 : index
    %swap3A_40 = arith.constant 1536 : index
    %swap3A_41 = arith.constant 0 : index
    %swap3A_42 = vector.load %arg2[%swap3A_39, %swap3A_40, %swap3A_41] : memref<1x2048x2048xf32, #tpu.memory_space<vmem>>, vector<1x512x2048xf32>
    %swap3A_43 = vector.shape_cast %swap3A_42 : vector<1x512x2048xf32> to vector<512x2048xf32>
    %swap3A_44 = vector.shape_cast %slice3A_38 : vector<512x2048xf32> to vector<1x512x2048xf32>
    tpu.vector_store %arg2[%swap3A_39, %swap3A_40, %swap3A_41], %swap3A_44 {strides = array<i32>} : memref<1x2048x2048xf32, #tpu.memory_space<vmem>>, vector<1x512x2048xf32>,
    return
  }
  func.func @transform_0(%arg0: i32) -> (i32, i32, i32) {
    %c0_i32 = arith.constant 0 : i32
    %c0_i32_0 = arith.constant 0 : i32
    %c0_i32_1 = arith.constant 0 : i32
    return %arg0, %c0_i32, %c0_i32_0 : i32, i32, i32
  }
  func.func @transform_1(%arg0: i32) -> (i32, i32, i32) {
    %c0_i32 = arith.constant 0 : i32
    %c0_i32_0 = arith.constant 0 : i32
    %c0_i32_1 = arith.constant 0 : i32
    return %arg0, %c0_i32, %c0_i32_0 : i32, i32, i32
  }
}

</mosaic_0001>

<sc_bundles>
// kernel: kernel.4.cloned.1.call-start
scs
__scs_entry_jumppad:
0x0: {  	(pc) =	sbr.rel $0x88, $3  }
0x1: {  	(tag) =	ssettag $0x0;
	lr =	simm.s32 $0x1  }
0x2: {  	[smem:$0x3FA0] =	sst lr;
	_ =	strace $0xD0000000  }
0x3: {  	_ = 	snop  }
0x4: {  	_ = 	snop  }
0x5: {  	_ = 	snop  }
0x6: {  	_ = 	snop  }
0x7: {  	_ = 	snop  }
__scs_overlays_trampoline_lowered:
0x8: {  	[smem:$0x3FAF] =	sst s0  }
0x9: {  	[smem:$0x3FB0] =	sst s1  }
0xa: {  	[smem:$0x3FB1] =	sst s2  }
0xb: {  	[smem:$0x3FB2] =	sst s3  }
0xc: {  	[smem:$0x3FB3] =	sst s4  }
0xd: {  	[smem:$0x3FB4] =	sst s5  }
0xe: {  	[smem:$0x3FB5] =	sst s6  }
0xf: {  	[smem:$0x3FB6] =	sst s7  }
0x10: {  	[smem:$0x3FB7] =	sst s8  }
0x11: {  	[smem:$0x3FB8] =	sst s9;
	s0 =	simm.s32 @!p0 $0x0  }
0x12: {  	s1 =	sld [smem:$0x3F9E];
	s0 =	simm.s32 @p0 $0x1  }
0x13: {  	[smem:$0x3FB9] =	sst s0;
	s0 =	simm.s32 @!p1 $0x0  }
0x14: {  	s2 =	sld [smem:$0x3F9D];
	s0 =	simm.s32 @p1 $0x1  }
0x15: {  	[smem:$0x3FBA] =	sst s0;
	s0 =	simm.s32 @!p2 $0x0  }
0x16: {  	s3 =	sld [smem:$0x3FDB];
	s0 =	simm.s32 @p2 $0x1  }
0x17: {  	s4 =	simm.s32 $0x1BF5;
	[smem:$0x3FBC] =	sst s0  }
0x18: {  	s0 =	sld [smem:$0x3F9F];
	_ =	swait.ge [sflag:s4], $0x0  }
0x19: {  	s7 =	sld [smem:$0x3FA0]  }
0x1a: {  	s8 =	sadd.s32 $0xFFFFE003, lr  }
0x1b: {  	s9 =	sadd.s32 $0xFFFFFEF7, lr;
	s5 =	simm.s32 $0xFFFFFFFF;
	p2 =	slt.u32 s8, $0xFFFFF086  }
0x1c: {  	p1 =	slt.u32 s9, $0xF7A;
	s5 =	simm.s32 @!p2 $0x0  }
0x1d: {  	s5 =	simm.s32 @p1 $0x1;
	p0 =	seq.s32 s7, s2  }
0x1e: {  	s7 =	smul.u32 @!p0 $0xF7A, s2;
	p2 =	seq.s32 @!p0 s5, $0x0  }
0x1f: {  	s9 =	smul.u32 $0xF7A, s1;
	s8 =	simm.s32 @!p0 $0x1BF5;
	p2 =	por !p2, p0  }
0x20: {  	[sflag:s8] =	ssyncset.s32 @!p0 $0xFFFFF086;
	s6 =	sadd.s32 @!p0 s3, s7;
	s7 =	simm.s32 @!p0 $0x108  }
0x21: {  	s3 =	sadd.s32 s3, s9;
	s6 =	sadd.s32 @!p0 $0x88, s6;
	s7 =	simm.s32 @p2 $0x1082  }
0x22: {  	[simem:s7], [sflag:s8] =	dma.local @!p0 [hbm:s6], $0xF7A  }
0x23: {  	s9 =	sor.u32 $0xD0000000, s2;
	s6 =	simm.s32 $0x108;
	_ =	swait.ge @!p0 [sflag:s8], $0x0  }
0x24: {  	s3 =	sadd.s32 $0x88, s3;
	s6 =	simm.s32 @!p1 $0x1082;
	[sflag:s4] =	ssyncset.s32 $0xFFFFF086  }
0x25: {  	[simem:s6], [sflag:s4] =	dma.local [hbm:s3], $0xF7A  }
0x26: {  	[smem:$0x3FA0] =	sst s1;
	(tag) =	ssettag s2;
	_ =	strace s9  }
0x27: {  	s1 =	sld [smem:$0x3FB0]  }
0x28: {  	s2 =	sld [smem:$0x3FB1]  }
0x29: {  	s4 =	sld [smem:$0x3FB3]  }
0x2a: {  	p0 =	seq.s32 s5, $0x0;
	s5 =	sld [smem:$0x3FB4]  }
0x2b: {  	s6 =	sld [smem:$0x3FB5]  }
0x2c: {  	s7 =	sld [smem:$0x3FB6]  }
0x2d: {  	s3 =	simm.s32 $0x108;
	s8 =	sld [smem:$0x3FB7]  }
0x2e: {  	s3 =	simm.s32 @!p0 $0x1082;
	s9 =	sld [smem:$0x3FB8]  }
0x2f: {  	lr =	sadd.s32 s0, s3;
	s0 =	sld [smem:$0x3FAF]  }
0x30: {  	s3 =	sld [smem:$0x3FB2]  }
0x31: {  	[smem:$0x3FBB] =	sst s10  }
0x32: {  	s10 =	sld [smem:$0x3FB9];
	_ =	sdelay $0x3  }
0x33: {  	p0 =	seq.s32 s10, $0x1;
	s10 =	sld [smem:$0x3FBB];
	_ =	sdelay $0x3  }
0x34: {  	[smem:$0x3FBB] =	sst s10  }
0x35: {  	s10 =	sld [smem:$0x3FBA];
	_ =	sdelay $0x3  }
0x36: {  	p1 =	seq.s32 s10, $0x1;
	s10 =	sld [smem:$0x3FBB];
	_ =	sdelay $0x3  }
0x37: {  	[smem:$0x3FBB] =	sst s10  }
0x38: {  	s10 =	sld [smem:$0x3FBC]  }
0x39: {  	_ = 	snop;
	(pc) =	sbr.ind lr, $3  }
0x3a: {  	_ = 	snop  }
0x3b: {  	_ = 	snop  }
0x3c: {  	p2 =	seq.s32 s10, $0x1;
	s10 =	sld [smem:$0x3FBB]  }
0x3d: {  	_ =	shalt  }
0x3e: {  	_ =	shalt  }
0x3f: {  	_ =	shalt  }
0x40: {  	_ =	shalt  }
0x41: {  	_ =	shalt  }
0x42: {  	_ =	shalt  }
0x43: {  	_ =	shalt  }
0x44: {  	_ =	shalt  }
0x45: {  	_ =	shalt  }
0x46: {  	_ =	shalt  }
0x47: {  	_ =	shalt  }
0x48: {  	_ =	shalt  }
0x49: {  	_ =	shalt  }
0x4a: {  	_ =	shalt  }
0x4b: {  	_ =	shalt  }
0x4c: {  	_ =	shalt  }
0x4d: {  	_ =	shalt  }
0x4e: {  	_ =	shalt  }
0x4f: {  	_ =	shalt  }
0x50: {  	_ =	shalt  }
0x51: {  	_ =	shalt  }
0x52: {  	_ =	shalt  }
0x53: {  	_ =	shalt  }
0x54: {  	_ =	shalt  }
0x55: {  	_ =	shalt  }
0x56: {  	_ =	shalt  }
0x57: {  	_ =	shalt  }
0x58: {  	_ =	shalt  }
0x59: {  	_ =	shalt  }
0x5a: {  	_ =	shalt  }
0x5b: {  	_ =	shalt  }
0x5c: {  	_ =	shalt  }
0x5d: {  	_ =	shalt  }
0x5e: {  	_ =	shalt  }
0x5f: {  	_ =	shalt  }
0x60: {  	_ =	shalt  }
0x61: {  	_ =	shalt  }
0x62: {  	_ =	shalt  }
0x63: {  	_ =	shalt  }
0x64: {  	_ =	shalt  }
0x65: {  	_ =	shalt  }
0x66: {  	_ =	shalt  }
0x67: {  	_ =	shalt  }
0x68: {  	_ =	shalt  }
0x69: {  	_ =	shalt  }
0x6a: {  	_ =	shalt  }
0x6b: {  	_ =	shalt  }
0x6c: {  	_ =	shalt  }
0x6d: {  	_ =	shalt  }
0x6e: {  	_ =	shalt  }
0x6f: {  	_ =	shalt  }
0x70: {  	_ =	shalt  }
0x71: {  	_ =	shalt  }
0x72: {  	_ =	shalt  }
0x73: {  	_ =	shalt  }
0x74: {  	_ =	shalt  }
0x75: {  	_ =	shalt  }
0x76: {  	_ =	shalt  }
0x77: {  	_ =	shalt  }
0x78: {  	_ =	shalt  }
0x79: {  	_ =	shalt  }
0x7a: {  	_ =	shalt  }
0x7b: {  	_ =	shalt  }
0x7c: {  	_ =	shalt  }
0x7d: {  	_ =	shalt  }
0x7e: {  	_ =	shalt  }
0x7f: {  	_ =	shalt  }
0x80: {  	_ =	shalt  }
0x81: {  	_ =	shalt  }
0x82: {  	_ =	shalt  }
0x83: {  	_ =	shalt  }
0x84: {  	_ =	shalt  }
0x85: {  	_ =	shalt  }
0x86: {  	_ =	shalt  }
0x87: {  	_ =	shalt  }
.Lfunc_end0:
.L_simem_size_0:
called_computation_lowered:
.L_overlay_start_0:
0x88: {  	s0 =	sld [smem:$0x3FD9]  }
0x89: {  	s1 =	sld [smem:$0x3FFE];
	_ =	sdelay $0x3  }
0x8a: {  	s0 =	sadd.s32 s1, s0  }
0x8b: {  	[smem:$0x3FC7] =	sst s0  }
0x8c: {  	_ = 	snop  }
0x8d: {  	s0 =	sld [smem:$0x3FD0];
	(tm) =	ssettm $0x1  }
0x8e: {  	s16 =	sld [smem:$0x3FFB];
	_ =	sdelay $0x3  }
0x8f: {  	_ =	strace s16  }
0x90: {  	s1 =	sld [smem:$0x3FFC];
	_ =	sdelay $0x3  }
0x91: {  	_ =	strace s1  }
0x92: {  	s1 =	sld [smem:$0x3FFD];
	_ =	sdelay $0x3  }
0x93: {  	_ =	strace s1  }
0x94: {  	_ =	strace $0x8FFFFFFF  }
0x95: {  	s17 =	sld [smem:$0x3FDB];
	_ =	sdelay $0x1  }
0x96: {  	s2 =	simm.s32 $_scs_section_size  }
0x97: {  	s3 =	simm.s32 $_size__tile_overlayer_lowered;
	s4 =	simm.s32 $_tile_overlayer_lowered  }
0x98: {  	s20 =	simm.s32 $0x1BFF;
	s19 =	sshll.u32 s4, $0x1;
	s1 =	sadd.s32 s2, s17  }
0x99: {  	s5 =	simm.s32 $0x0;
	s18 =	sshll.u32 s3, $0x1;
	s3 =	sadd.s32 s19, s1  }
0x9a: {  	[timem:s5], [sflag:s20] =	dma.local [hbm:s3], s18  }
0x9b: {  	_ =	swait.ge [sflag:s20], s18  }
0x9c: {  	s2 =	ssub.s32 $0x0, s18;
	[sflag:s20] =	ssyncset.done $0x0  }
0x9d: {  	[sflag:s20] =	ssyncadd.s32 s2;
	_ =	sdelay $0x1  }
0x9e: {  	s21 =	simm.s32 $0x1B8B  }
0x9f: {  	_ =	swait.ge [sflag:s21], $0x1  }
0xa0: {  	[sflag:s21] =	ssyncset.done $0x0  }
0xa1: {  	s23 =	simm.s32 $0x1B8E;
	s22 =	sld [smem:$0x3FFE];
	[sflag:s21] =	ssyncadd.s32 $0xFFFFFFFF  }
0xa2: {  	s24 =	simm.s32 $execute0_lowered;
	[smem:$0x3FD2] =	sst s23  }
0xa3: {  	s3 =	sshll.u32 s24, $0x1;
	_ =	strace $0x80000046;
	[dreg:$0x1] =	wrdreg $0xFFFFFFFF  }
0xa4: {  	s25 =	simm.s32 $_size_execute0_lowered;
	s1 =	sadd.s32 s1, s3;
	[dreg:$0x0] =	wrdreg $0x0  }
0xa5: {  	s3 =	sshll.u32 s25, $0x1;
	[dreg:$0x2] =	wrdreg s1  }
0xa6: {  	[dreg:$0x3] =	wrdreg s3  }
0xa7: {  	[dreg:$0x4] =	wrdreg $0xC0  }
0xa8: {  	_ =	task [dreg:s5], $0x5FFFF  }
0xa9: {  	[dreg:$0x1] =	wrdreg $0xFFFFFFFF  }
0xaa: {  	[dreg:$0x0] =	wrdreg $0x60  }
0xab: {  	[dreg:$0x2] =	wrdreg s22  }
0xac: {  	[dreg:$0x3] =	wrdreg s0  }
0xad: {  	[dreg:$0x4] =	wrdreg $0x9  }
0xae: {  	_ =	task.clear_ibuf [dreg:s5], $0x5FFFF;
	_ =	strace $0x90000046  }
0xaf: {  	s26 =	simm.s32 $0x9;
	_ =	strace $0x80000048  }
0xb0: {  	_ =	swait.ge [sflag:s26], $0x1  }
0xb1: {  	[sflag:s26] =	ssyncadd.s32 $0xFFFFFFFF  }
0xb2: {  	_ =	strace $0x90000048  }
0xb3: {  	_ =	sfence  }
0xb4: {  	s28 =	sld [smem:$0x0];
	_ =	sdelay $0x1  }
0xb5: {  	s29 =	srdreg.scid  }
0xb6: {  	s30 =	sshll.u32 s29, $0xD;
	s31 =	sshrl.u32 s29, $0x2  }
0xb7: {  	s2 =	sand.u32 $0x4000, s30;
	s1 =	sand.u32 $0x1, s29;
	s0 =	sadd.s32 s31, s28  }
0xb8: {  	s1 =	sor.u32 s2, s1;
	s0 =	sshll.u32 s0, $0x11  }
0xb9: {  	s0 =	sor.u32 s0, s1  }
0xba: {  	s0 =	sadd.s32 $0x8F2B, s0  }
0xbb: {  	[sflag:s0] =	ssyncadd.remote.s32 $0x1  }
0xbc: {  	_ =	sfence.sel $0xFFFF  }
0xbd: {  	[dreg:$0x0] =	wrdreg $0xFFFFFFFF;
	(pc) =	sbr.abs _section_cstart, $3  }
0xbe: {  	[dreg:$0x1] =	wrdreg $0xFFFFFFFF  }
0xbf: {  	_ =	task.clear_ibuf [dreg:s5], $0x2FFFF;
	_ =	strace $0x9FFFFFFF  }
0xc0: {  	(tm) =	ssettm $0x7FFFFFFF  }
0xc1: {  	_ =	shalt  }
tec
execute0_lowered:
.L_overlay_start_1:
0x0: {  	(tag) =	ssettag $0x1  }
0x1: {  	s3 =	rddreg [dreg:$0x0]  }
0x2: {  	s2 =	rddreg [dreg:$0x1];
	s1 =	stileid.u32  }
0x3: {  	s0 =	rddreg [dreg:$0x2];
	s4 =	simm.s32 $0x0;
	s5 =	sshll.u32 s1, $0x2  }
0x4: {  	[smem:$0x7FF] =	sst s4;
	s3 =	sadd.s32 s5, s3  }
0x5: {  	s23 =	simm.s32 $0x1;
	_ =	strace $0x80000047;
	s3 =	sadd.s32 $0x600, s3  }
0x6: {  	[tilespmem:s4], [sflag:$0x1] =	stream.linear.gather [hbm4b:s3+s4], $0x20, $0x38;
	[tilespmem:$0x1080] =	vst v63  }
0x7: {  	v0 =	vlaneseq.u32;
	s25 =	simm.s32 $0x0;
	s26 =	simm.s32 $0x10;
	_ =	swait.ge [sflag:s23], $0x20  }
0x8: {  	s6 =	simm.s32 $0x20;
	s28 =	simm.s32 $0x30;
	v1 =	vmul.u32 $0xFFFFFFFF, v0;
	v3 =	vmov s25;
	[sflag:s23] =	ssyncset.done $0x0  }
0x9: {  	s29 =	simm.s32 $0x40;
	s30 =	simm.s32 $0x50;
	v4 =	vmov s26;
	v5 =	vmov s6;
	v6 =	vmov s28;
	[sflag:s23] =	ssyncadd.s32 $0xFFFFFFE0  }
0xa: {  	s24 =	simm.s32 $0x70;
	v7 =	vmov s29;
	v8 =	vmov s30;
	v2 =	vadd.s32 $0x800, v1;
	v0 =	vld [tilespmem:$0x10]  }
0xb: {  	s31 =	simm.s32 $0x60;
	v1 =	vmov s24;
	v9 =	vsub.s32 v2, v3;
	v3 =	vsub.s32 v2, v4  }
0xc: {  	v4 =	vmov s31;
	v5 =	vsub.s32 v2, v5;
	v6 =	vsub.s32 v2, v6  }
0xd: {  	v7 =	vsub.s32 v2, v7;
	v8 =	vsub.s32 v2, v8;
	v63 =	vsub.s32 v2, v1  }
0xe: {  	v3 =	vmin.u32 v3, $0xF;
	v5 =	vmin.u32 v5, $0xF;
	v4 =	vsub.s32 v2, v4  }
0xf: {  	v10 =	vperm.xlane v0, v3;
	v3 =	vmin.u32 v6, $0xF;
	v6 =	vmin.u32 v9, $0xF  }
0x10: {  	s3 =	simm.s32 $0xC0;
	v4 =	vmin.u32 v4, $0xF;
	v9 =	vmin.u32 v63, $0xF;
	v6 =	vperm.xlane v0, v6  }
0x11: {  	v7 =	vmin.u32 v7, $0xF;
	v1 =	vld [tilespmem:$0x0];
	v26 =	vperm.xlane v0, v4;
	v28 =	vperm.xlane v0, v9;
	[tilespmem:s3+$0xFFFFFFD0] =	vst v10  }
0x12: {  	s6 =	simm.s32 $0x140;
	s5 =	simm.s32 $0xF0;
	s4 =	simm.s32 $0x0;
	v4 =	vmin.u32 v8, $0xF;
	v25 =	vperm.xlane v0, v5;
	v27 =	vperm.xlane v0, v7;
	[tilespmem:s3+$0xFFFFFFC0] =	vst v6  }
.LBB2_1:
0x13: {  	s7 =	sadd.s32 $0xFFFFFF90, s5;
	s8 =	sadd.s32 $0xFFFFFFA0, s5;
	s9 =	sadd.s32 $0xFFFFFFB0, s5;
	v5 =	vmov s5;
	v3 =	vperm.xlane v0, v3;
	v4 =	vperm.xlane v0, v4;
	[tilespmem:s3+$0x30] =	vst v28  }
0x14: {  	v6 =	vmov s7;
	v7 =	vmov s8;
	v8 =	vmov s9;
	s7 =	sadd.s32 $0xFFFFFFC0, s5;
	s8 =	sadd.s32 $0xFFFFFFD0, s5;
	s9 =	sadd.s32 $0xFFFFFFE0, s5;
	[tilespmem:s3+$0x20] =	vst v26  }
0x15: {  	s4 =	sadd.s32 $0x8, s4;
	v9 =	vmov s7;
	v10 =	vmov s8;
	v11 =	vmov s9;
	s7 =	sadd.s32 $0xFFFFFFF0, s5;
	[tilespmem:s3+$0x0] =	vst v27  }
0x16: {  	p0 =	slt.u32 s4, $0x78;
	v6 =	vsub.s32 v2, v6;
	v7 =	vsub.s32 v2, v7;
	v12 =	vmov s7;
	[tilespmem:s3+$0x10] =	vst v4  }
0x17: {  	v4 =	vmin.u32 v7, $0xF;
	v7 =	vsub.s32 v2, v8;
	v8 =	vsub.s32 v2, v9;
	[tilespmem:s3+$0xFFFFFFE0] =	vst v25  }
0x18: {  	v9 =	vsub.s32 v2, v10;
	v10 =	vsub.s32 v2, v11;
	v4 =	vperm.xlane v0, v4;
	[tilespmem:s3+$0xFFFFFFF0] =	vst v3;
	s3 =	smov.u32 s6  }
.Ltmp0:
0x19: {  	v7 =	vmin.u32 v7, $0xF;
	v3 =	vmin.u32 v8, $0xF;
	v8 =	vsub.s32 v2, v12;
	(pc) =	sbr.rel @p0 .LBB2_1-.Ltmp0, $4  }
0x1a: {  	v5 =	vsub.s32 v2, v5;
	v6 =	vmin.u32 v6, $0xF;
	[tilespmem:s6+$0xFFFFFFD0] =	vst v4;
	v4 =	vmin.u32 v10, $0xF  }
0x1b: {  	v5 =	vmin.u32 v5, $0xF;
	v6 =	vperm.xlane v0, v6;
	v8 =	vmin.u32 v8, $0xF  }
0x1c: {  	v28 =	vperm.xlane v0, v5;
	v9 =	vmin.u32 v9, $0xF;
	v26 =	vperm.xlane v0, v8  }
0x1d: {  	s5 =	sadd.s32 $0x80, s5;
	v25 =	vperm.xlane v0, v7;
	v27 =	vperm.xlane v0, v9;
	s6 =	sadd.s32 $0x80, s6;
	[tilespmem:s3+$0xFFFFFFC0] =	vst v6  }
0x1e: {  	v2 =	vlaneseq.u32;
	v29 =	vperm.xlane v0, v3  }
0x1f: {  	v30 =	vperm.xlane v0, v4;
	v4 =	vimm.s32 $0x0;
	v21 =	vimm.s32 $0xF  }
0x20: {  	s5 =	simm.s32 $0x70;
	v22 =	vimm.s32 $0xA;
	v23 =	vimm.s32 $0x1;
	v24 =	vimm.s32 $0x2  }
0x21: {  	s6 =	simm.s32 $0x10;
	s4 =	simm.s32 $0x0;
	s7 =	simm.s32 $0x30;
	v16 =	vmul.u32 $0xFFFFFFFF, v2;
	v20 =	vadd.s32 $0xFFFFFFFF, v2;
	v31 =	vmov s5  }
0x22: {  	s31 =	simm.s32 $0x20;
	[tilespmem:s3+$0x30] =	vst v28;
	v33 =	vmov s6;
	v32 =	vmov s4;
	v37 =	vmov s7  }
0x23: {  	s9 =	simm.s32 $0x50;
	[tilespmem:s3+$0x20] =	vst v26;
	v41 =	vadd.s32 s6, v20;
	v28 =	vadd.s32 s31, v20;
	v26 =	vadd.s32 s7, v20  }
0x24: {  	[tilespmem:s3+$0x10] =	vst v30;
	v30 =	vadd.s32 s9, v20;
	v3 =	vadd.s32 $0x12, v16;
	v5 =	vadd.s32 $0x14, v16  }
0x25: {  	v6 =	vadd.s32 $0x17, v16;
	v7 =	vadd.s32 $0x1A, v16;
	v8 =	vadd.s32 $0x1E, v16  }
0x26: {  	v9 =	vadd.s32 $0x22, v16;
	v10 =	vadd.s32 $0x27, v16;
	v11 =	vadd.s32 $0x2D, v16  }
0x27: {  	v12 =	vadd.s32 $0x33, v16;
	v13 =	vadd.s32 $0x3A, v16;
	v14 =	vadd.s32 $0x42, v16  }
0x28: {  	v15 =	vadd.s32 $0x4C, v16;
	v17 =	vadd.s32 $0x56, v16;
	v18 =	vadd.s32 $0x62, v16  }
0x29: {  	v19 =	vadd.s32 $0x70, v16;
	v16 =	vperm.xlane v1, v21;
	v21 =	vimm.s32 $0x5  }
0x2a: {  	vm0 =	vgt.u32 v33, v3;
	vm1 =	vgt.u32 v33, v5;
	vm2 =	vgt.u32 v33, v18  }
0x2b: {  	vm3 =	vgt.u32 v32, v5;
	vm5 =	vgt.u32 v37, v9;
	vm6 =	vgt.u32 v37, v10  }
0x2c: {  	vm11 =	vgt.u32 v37, v11;
	vm12 =	vgt.u32 v37, v12;
	vm13 =	vgt.u32 v37, v13  }
0x2d: {  	vm14 =	vgt.u32 v37, v14;
	vm15 =	vgt.u32 v37, v15;
	vm9 =	vgt.u32 v31, v14  }
0x2e: {  	vm10 =	vgt.u32 v32, v19;
	v34 =	vsel vm0, $0x1, v4;
	v35 =	vsel vm1, $0x1, v4  }
0x2f: {  	vm0 =	vgt.u32 v33, v6;
	vm1 =	vgt.u32 v33, v17;
	v61 =	vsel vm2, $0x1, v4  }
0x30: {  	vm2 =	vgt.u32 v33, v19;
	v36 =	vsel vm3, $0x1, v4;
	vm3 =	vgt.u32 v32, v9  }
0x31: {  	v34 =	vadd.s32 v35, v34;
	v50 =	vsel vm0, $0x1, v4;
	vm0 =	vgt.u32 v33, v7  }
0x32: {  	v60 =	vsel vm1, $0x1, v4;
	vm1 =	vgt.u32 v32, v3;
	v63 =	vsel vm2, $0x1, v4  }
0x33: {  	vm2 =	vgt.u32 v32, v7;
	v46 =	vsel vm3, $0x1, v4;
	v34 =	vadd.s32 v50, v34  }
0x34: {  	v51 =	vsel vm0, $0x1, v4;
	vm0 =	vgt.u32 v33, v8;
	v40 =	vsel vm1, $0x1, v4  }
0x35: {  	vm1 =	vgt.u32 v32, v6;
	v44 =	vsel vm2, $0x1, v4;
	vm2 =	vgt.u32 v32, v8  }
0x36: {  	v34 =	vadd.s32 v51, v34;
	v52 =	vsel vm0, $0x1, v4;
	vm0 =	vgt.u32 v33, v9  }
0x37: {  	v35 =	vadd.s32 v36, v40;
	v42 =	vsel vm1, $0x1, v4;
	vm1 =	vlt.u32 v41, $0xF  }
0x38: {  	v45 =	vsel vm2, $0x1, v4;
	v36 =	vmov s31;
	vm2 =	vgt.u32 v32, v10  }
0x39: {  	v40 =	vsel vm5, $0x6, v21;
	v41 =	vsel vm6, $0x1, v4;
	v51 =	vsel vm11, $0x1, v4  }
0x3a: {  	v34 =	vadd.s32 v52, v34;
	v53 =	vsel vm0, $0x1, v4;
	vm0 =	vgt.u32 v33, v10  }
0x3b: {  	v43 =	vadd.s32 v42, v35;
	vm3 =	vgt.u32 v36, v9;
	vm4 =	vgt.u32 v36, v10  }
0x3c: {  	s8 =	simm.s32 $0x40;
	v47 =	vsel vm2, $0x1, v4;
	vm2 =	vgt.u32 v32, v11;
	v49 =	vadd.s32 v41, v40  }
0x3d: {  	v42 =	vmov s8;
	v34 =	vadd.s32 v53, v34;
	v54 =	vsel vm0, $0x1, v4  }
0x3e: {  	vm0 =	vgt.u32 v33, v11;
	v38 =	vsel vm3, $0x6, v21;
	v39 =	vsel vm4, $0x1, v4  }
0x3f: {  	vm3 =	vgt.u32 v36, v11;
	v48 =	vsel vm2, $0x1, v4;
	vm2 =	vgt.u32 v32, v12  }
0x40: {  	vm4 =	vgt.u32 v37, v17;
	v34 =	vadd.s32 v54, v34;
	v55 =	vsel vm0, $0x1, v4  }
0x41: {  	vm0 =	vgt.u32 v33, v12;
	v38 =	vadd.s32 v39, v38;
	v50 =	vsel vm3, $0x1, v4  }
0x42: {  	vm3 =	vgt.u32 v36, v12;
	v52 =	vsel vm2, $0x1, v4;
	v39 =	vadd.s32 v51, v49  }
0x43: {  	vm2 =	vgt.u32 v32, v13;
	v54 =	vsel vm12, $0x1, v4;
	vm12 =	vgt.u32 v42, v14  }
0x44: {  	v34 =	vadd.s32 v55, v34;
	v56 =	vsel vm0, $0x1, v4;
	vm0 =	vgt.u32 v33, v13  }
0x45: {  	v38 =	vadd.s32 v50, v38;
	v53 =	vsel vm3, $0x1, v4;
	vm3 =	vgt.u32 v36, v13  }
0x46: {  	v55 =	vsel vm2, $0x1, v4;
	v39 =	vadd.s32 v54, v39;
	vm2 =	vgt.u32 v32, v14  }
0x47: {  	v34 =	vadd.s32 v56, v34;
	v57 =	vsel vm0, $0x1, v4;
	vm0 =	vgt.u32 v33, v14  }
0x48: {  	v38 =	vadd.s32 v53, v38;
	v56 =	vsel vm3, $0x1, v4;
	vm3 =	vgt.u32 v36, v14  }
0x49: {  	v53 =	vsel vm4, $0x1, v4;
	v34 =	vadd.s32 v57, v34;
	v58 =	vsel vm0, $0x1, v4  }
0x4a: {  	vm0 =	vgt.u32 v33, v15;
	v57 =	vsel vm13, $0x1, v4;
	vm13 =	vgt.u32 v42, v15  }
0x4b: {  	v34 =	vadd.s32 v58, v34;
	v59 =	vsel vm0, $0x1, v4;
	vm0 =	vgt.u32 v31, v15  }
0x4c: {  	v58 =	vadd.s32 v56, v38;
	v38 =	vmov s9;
	v39 =	vadd.s32 v57, v39  }
0x4d: {  	v34 =	vadd.s32 v59, v34;
	v59 =	vsel vm2, $0x1, v4;
	vm2 =	vgt.u32 v32, v15  }
0x4e: {  	vm7 =	vgt.u32 v38, v14;
	vm8 =	vgt.u32 v38, v15;
	v34 =	vadd.s32 v60, v34  }
0x4f: {  	v60 =	vsel vm14, $0x1, v4;
	v49 =	vsel vm8, $0x1, v4;
	vm14 =	vgt.u32 v42, v17  }
0x50: {  	s10 =	simm.s32 $0x60;
	v62 =	vadd.s32 v61, v34;
	v34 =	vadd.s32 v44, v43;
	v43 =	vsel vm3, $0x1, v4  }
0x51: {  	vm3 =	vgt.u32 v36, v15;
	v44 =	vmov s10;
	v39 =	vadd.s32 v60, v39  }
0x52: {  	v61 =	vsel vm2, $0x1, v4;
	vm2 =	vgt.u32 v32, v17;
	v54 =	vsel vm14, $0x1, v4  }
0x53: {  	vm14 =	vgt.u32 v38, v18;
	v33 =	vadd.s32 v63, v62;
	v34 =	vadd.s32 v45, v34  }
0x54: {  	v35 =	vadd.s32 v43, v58;
	v62 =	vsel vm3, $0x1, v4;
	v63 =	vsel vm15, $0x1, v4  }
0x55: {  	v45 =	vsel vm12, $0xB, v22;
	vm3 =	vgt.u32 v36, v17;
	vm15 =	vgt.u32 v38, v17  }
0x56: {  	vm12 =	vgt.u32 v44, v14;
	v51 =	vsel vm2, $0x1, v4;
	vm2 =	veq.s32 v31, v19  }
0x57: {  	v58 =	vsel vm0, $0x1, v4;
	vm0 =	vgt.u32 v32, v18;
	vm11 =	vgt.u32 v44, v19  }
0x58: {  	v33 =	vperm.xlane v0, v33;
	v34 =	vadd.s32 v46, v34;
	v46 =	vsel vm13, $0x1, v4  }
0x59: {  	v35 =	vadd.s32 v62, v35;
	v39 =	vadd.s32 v63, v39;
	vm13 =	vgt.u32 v44, v15  }
0x5a: {  	v56 =	vsel vm12, $0xB, v22;
	v60 =	vsel vm0, $0x1, v4;
	vm0 =	vgt.u32 v36, v19  }
0x5b: {  	vm12 =	vgt.u32 v31, v18;
	v34 =	vadd.s32 v47, v34;
	v50 =	vadd.s32 v46, v45  }
0x5c: {  	v39 =	vadd.s32 v53, v39;
	v57 =	vsel vm13, $0x2, v23;
	v46 =	vadd.s32 s5, v20  }
0x5d: {  	v53 =	vsel vm10, $0x1, v4;
	v34 =	vadd.s32 v48, v34;
	v48 =	vsel vm7, $0xB, v22  }
0x5e: {  	v43 =	vadd.s32 v54, v50;
	v45 =	vadd.s32 v56, v57;
	v33 =	vsel vm1, v16, v33  }
0x5f: {  	vm1 =	vgt.u32 v36, v18;
	v50 =	vor.u32 s4, v2;
	v34 =	vadd.s32 v52, v34  }
0x60: {  	v40 =	vadd.s32 v49, v48;
	v52 =	vsel vm3, $0x1, v4;
	vm3 =	vgt.u32 v42, v18  }
0x61: {  	v48 =	vsel vm14, $0x1, v4;
	vm14 =	vlt.u32 v30, $0xF;
	v34 =	vadd.s32 v55, v34  }
0x62: {  	v35 =	vadd.s32 v52, v35;
	v55 =	vsel vm15, $0x1, v4;
	vm15 =	vgt.u32 v44, v18  }
0x63: {  	v63 =	vsel vm3, $0x1, v4;
	vm3 =	vgt.u32 v38, v19;
	v34 =	vadd.s32 v59, v34  }
0x64: {  	v40 =	vadd.s32 v55, v40;
	v59 =	vsel vm2, $0x1, v24;
	vm2 =	vgt.u32 v37, v18  }
0x65: {  	v49 =	vsel vm15, $0x1, v4;
	v52 =	vadd.s32 v63, v43;
	v55 =	vsel vm0, $0x1, v4  }
0x66: {  	vm0 =	vlt.s32 v50, $0xF;
	v63 =	vadd.s32 s10, v20;
	v34 =	vadd.s32 v61, v34  }
0x67: {  	v41 =	vadd.s32 v58, v59;
	v61 =	vsel vm1, $0x1, v4;
	vm1 =	vgt.u32 v37, v19  }
0x68: {  	v62 =	vsel vm2, $0x1, v4;
	vm2 =	vgt.u32 v42, v19;
	v38 =	vadd.s32 v48, v40  }
0x69: {  	v54 =	vadd.s32 v49, v45;
	v58 =	vsel vm3, $0x1, v4;
	v59 =	vsel vm11, $0x1, v4  }
0x6a: {  	vm3 =	vlt.u32 v26, $0xF;
	vm15 =	vlt.u32 v63, $0xF;
	v34 =	vadd.s32 v51, v34  }
0x6b: {  	v35 =	vadd.s32 v61, v35;
	v51 =	vsel vm9, $0xB, v22;
	v31 =	vadd.s32 v62, v39  }
0x6c: {  	v56 =	vsel vm1, $0x1, v4;
	v57 =	vsel vm2, $0x1, v4;
	v38 =	vadd.s32 v58, v38  }
0x6d: {  	v40 =	vadd.s32 v59, v54;
	v61 =	vadd.s32 s4, v20;
	v62 =	vadd.s32 s8, v20  }
0x6e: {  	vm2 =	vlt.u32 v28, $0xF;
	v32 =	vadd.s32 v60, v34;
	v36 =	vadd.s32 v51, v41  }
0x6f: {  	v35 =	vadd.s32 v55, v35;
	v60 =	vsel vm12, $0x1, v4;
	v31 =	vadd.s32 v56, v31  }
0x70: {  	v37 =	vadd.s32 v57, v52;
	v34 =	vnsel vm0, $0xF, v50;
	v38 =	vperm.xlane v0, v38  }
0x71: {  	v40 =	vperm.xlane v0, v40;
	vm1 =	vlt.u32 v61, $0xF;
	vm13 =	vlt.u32 v62, $0xF  }
0x72: {  	[tilespmem:s3+$0x0] =	vst v27;
	v32 =	vadd.s32 v53, v32;
	v35 =	vperm.xlane v0, v35;
	v31 =	vperm.xlane v0, v31  }
0x73: {  	[tilespmem:s3+$0xFFFFFFE0] =	vst v25;
	v36 =	vadd.s32 v60, v36;
	v34 =	vperm.xlane v1, v34;
	v32 =	vperm.xlane v0, v32  }
0x74: {  	[tilespmem:s3+$0xFFFFFFF0] =	vst v29;
	s3 =	simm.s32 $0x8F0;
	vm0 =	vlt.u32 v46, $0xF;
	v37 =	vperm.xlane v0, v37;
	v27 =	vperm.xlane v0, v36  }
0x75: {  	[tilespmem:s3+$0xFFFFFFA0] =	vst v33;
	v29 =	vsel vm14, v16, v38;
	v28 =	vsel vm15, v16, v40;
	v25 =	vsel vm1, v34, v32  }
0x76: {  	s5 =	simm.s32 $0xF0;
	s4 =	simm.s32 $0x0;
	v31 =	vsel vm3, v16, v31;
	v30 =	vsel vm13, v16, v37;
	v32 =	vsel vm2, v16, v35;
	[tilespmem:s3+$0xFFFFFF90] =	vst v25  }
.LBB2_3:
0x77: {  	s6 =	sadd.s32 $0xFFFFFF90, s5;
	s12 =	sadd.s32 $0xFFFFFFA0, s5;
	v26 =	vmov s5;
	v25 =	vadd.s32 s5, v20;
	s4 =	sadd.s32 $0x8, s4;
	[tilespmem:s3+$0xFFFFFFB0] =	vst v32;
	v32 =	vsel vm0, v16, v27  }
0x78: {  	s10 =	sadd.s32 $0xFFFFFFB0, s5;
	s7 =	sadd.s32 $0xFFFFFFC0, s5;
	v27 =	vmov s6;
	v33 =	vmov s12;
	vm0 =	vgt.u32 v26, v15;
	p0 =	slt.u32 s4, $0x78;
	[tilespmem:s3+$0xFFFFFFC0] =	vst v31  }
0x79: {  	s11 =	sadd.s32 $0xFFFFFFD0, s5;
	s8 =	sadd.s32 $0xFFFFFFE0, s5;
	s9 =	sadd.s32 $0xFFFFFFF0, s5;
	vm1 =	vgt.u32 v27, v3;
	vm2 =	vgt.u32 v33, v3;
	vm3 =	vgt.u32 v33, v5;
	[tilespmem:s3+$0xFFFFFFD0] =	vst v30  }
0x7a: {  	v30 =	vsel vm2, $0x1, v4;
	v31 =	vsel vm3, $0x1, v4;
	vm2 =	vgt.u32 v33, v6;
	[tilespmem:s3+$0xFFFFFFE0] =	vst v29  }
0x7b: {  	v29 =	vadd.s32 v31, v30;
	v30 =	vsel vm2, $0x1, v4;
	vm2 =	vgt.u32 v33, v7;
	[tilespmem:s3+$0xFFFFFFF0] =	vst v28  }
0x7c: {  	v28 =	vadd.s32 v30, v29;
	v29 =	vsel vm2, $0x1, v4;
	vm2 =	vgt.u32 v33, v8;
	[tilespmem:s3+$0x0] =	vst v32  }
0x7d: {  	v28 =	vadd.s32 v29, v28;
	v29 =	vsel vm2, $0x1, v4;
	vm2 =	vgt.u32 v33, v9  }
0x7e: {  	v28 =	vadd.s32 v29, v28;
	v29 =	vsel vm2, $0x1, v4;
	vm2 =	vgt.u32 v33, v10  }
0x7f: {  	v28 =	vadd.s32 v29, v28;
	v29 =	vsel vm2, $0x1, v4;
	vm2 =	vgt.u32 v33, v11  }
0x80: {  	v28 =	vadd.s32 v29, v28;
	v29 =	vsel vm2, $0x1, v4;
	vm2 =	vgt.u32 v33, v12  }
0x81: {  	v28 =	vadd.s32 v29, v28;
	v29 =	vsel vm2, $0x1, v4;
	vm2 =	vgt.u32 v33, v13  }
0x82: {  	v28 =	vadd.s32 v29, v28;
	v29 =	vsel vm2, $0x1, v4;
	vm2 =	vgt.u32 v33, v14  }
0x83: {  	v28 =	vadd.s32 v29, v28;
	v29 =	vsel vm2, $0x1, v4;
	vm2 =	vgt.u32 v33, v15  }
0x84: {  	v28 =	vadd.s32 v29, v28;
	v29 =	vsel vm2, $0x1, v4;
	vm2 =	vgt.u32 v33, v17  }
0x85: {  	v28 =	vadd.s32 v29, v28;
	v29 =	vsel vm2, $0x1, v4;
	vm2 =	vgt.u32 v33, v18  }
0x86: {  	v28 =	vadd.s32 v29, v28;
	v29 =	vsel vm2, $0x1, v4;
	vm2 =	vgt.u32 v33, v19  }
0x87: {  	vm3 =	vgt.u32 v27, v5;
	v28 =	vadd.s32 v29, v28;
	v29 =	vsel vm2, $0x1, v4  }
0x88: {  	v31 =	vsel vm3, $0x1, v4;
	v30 =	vsel vm1, $0x1, v4;
	v28 =	vadd.s32 v29, v28  }
0x89: {  	vm1 =	vgt.u32 v27, v6;
	v29 =	vadd.s32 s12, v20;
	v28 =	vperm.xlane v0, v28  }
0x8a: {  	v30 =	vadd.s32 v31, v30;
	v31 =	vsel vm1, $0x1, v4;
	vm1 =	vlt.u32 v29, $0xF  }
0x8b: {  	s3 =	sadd.s32 $0x80, s3;
	vm2 =	vgt.u32 v27, v7;
	v29 =	vadd.s32 v31, v30;
	v28 =	vsel vm1, v16, v28  }
0x8c: {  	v30 =	vsel vm2, $0x1, v4;
	vm2 =	vgt.u32 v27, v9;
	vm1 =	vgt.u32 v27, v8;
	[tilespmem:s3+$0xFFFFFFA0] =	vst v28  }
0x8d: {  	v29 =	vadd.s32 v30, v29;
	v30 =	vsel vm1, $0x1, v4;
	v28 =	vmov s10  }
0x8e: {  	v31 =	vsel vm2, $0x1, v4;
	v30 =	vadd.s32 v30, v29;
	v29 =	vmov s7  }
0x8f: {  	vm1 =	vgt.u32 v27, v10;
	vm2 =	vgt.u32 v28, v9;
	vm3 =	vgt.u32 v28, v10  }
0x90: {  	v30 =	vadd.s32 v31, v30;
	vm4 =	vgt.u32 v29, v9;
	vm5 =	vgt.u32 v29, v10  }
0x91: {  	v31 =	vsel vm1, $0x1, v4;
	v32 =	vsel vm2, $0x6, v21;
	v33 =	vsel vm3, $0x1, v4  }
0x92: {  	vm1 =	vgt.u32 v27, v11;
	v34 =	vsel vm4, $0x6, v21;
	v35 =	vsel vm5, $0x1, v4  }
0x93: {  	vm2 =	vgt.u32 v28, v11;
	vm3 =	vgt.u32 v29, v11;
	v30 =	vadd.s32 v31, v30  }
0x94: {  	v31 =	vsel vm1, $0x1, v4;
	v32 =	vadd.s32 v33, v32;
	v33 =	vadd.s32 v35, v34  }
0x95: {  	vm1 =	vgt.u32 v27, v12;
	v34 =	vsel vm2, $0x1, v4;
	v35 =	vsel vm3, $0x1, v4  }
0x96: {  	v30 =	vadd.s32 v31, v30;
	vm2 =	vgt.u32 v28, v12;
	vm3 =	vgt.u32 v29, v12  }
0x97: {  	v31 =	vsel vm1, $0x1, v4;
	v32 =	vadd.s32 v34, v32;
	v33 =	vadd.s32 v35, v33  }
0x98: {  	vm1 =	vgt.u32 v27, v13;
	v34 =	vsel vm2, $0x1, v4;
	v35 =	vsel vm3, $0x1, v4  }
0x99: {  	v30 =	vadd.s32 v31, v30;
	vm2 =	vgt.u32 v28, v13;
	vm3 =	vgt.u32 v29, v13  }
0x9a: {  	v31 =	vsel vm1, $0x1, v4;
	v32 =	vadd.s32 v34, v32;
	v33 =	vadd.s32 v35, v33  }
0x9b: {  	vm1 =	vgt.u32 v27, v14;
	v34 =	vsel vm2, $0x1, v4;
	v35 =	vsel vm3, $0x1, v4  }
0x9c: {  	v36 =	vmov s11;
	vm2 =	vgt.u32 v28, v14;
	vm3 =	vgt.u32 v29, v14  }
0x9d: {  	v30 =	vadd.s32 v31, v30;
	v31 =	vadd.s32 v34, v32;
	v32 =	vmov s8  }
0x9e: {  	v34 =	vsel vm1, $0x1, v4;
	v37 =	vsel vm2, $0x1, v4;
	v33 =	vadd.s32 v35, v33  }
0x9f: {  	vm1 =	vgt.u32 v27, v15;
	vm2 =	vgt.u32 v28, v15;
	v35 =	vsel vm3, $0x1, v4  }
0xa0: {  	vm4 =	vgt.u32 v36, v14;
	vm5 =	vgt.u32 v36, v15;
	vm3 =	vgt.u32 v29, v15  }
0xa1: {  	v38 =	vmov s9;
	vm6 =	vgt.u32 v32, v14;
	vm7 =	vgt.u32 v32, v15  }
0xa2: {  	v30 =	vadd.s32 v34, v30;
	v31 =	vadd.s32 v37, v31;
	v33 =	vadd.s32 v35, v33  }
0xa3: {  	v34 =	vsel vm1, $0x1, v4;
	v35 =	vsel vm2, $0x1, v4;
	v37 =	vsel vm3, $0x1, v4  }
0xa4: {  	v39 =	vsel vm4, $0xB, v22;
	v40 =	vsel vm5, $0x1, v4;
	v41 =	vsel vm6, $0xB, v22  }
0xa5: {  	vm1 =	vgt.u32 v27, v17;
	vm2 =	vgt.u32 v28, v17;
	v42 =	vsel vm7, $0x1, v4  }
0xa6: {  	vm4 =	vgt.u32 v36, v17;
	vm3 =	vgt.u32 v29, v17;
	vm5 =	vgt.u32 v32, v17  }
0xa7: {  	vm8 =	veq.s32 v26, v19;
	vm6 =	vgt.u32 v38, v14;
	vm7 =	vgt.u32 v38, v15  }
0xa8: {  	v30 =	vadd.s32 v34, v30;
	v31 =	vadd.s32 v35, v31;
	v33 =	vadd.s32 v37, v33  }
0xa9: {  	v34 =	vsel vm1, $0x1, v4;
	v35 =	vadd.s32 v40, v39;
	v37 =	vadd.s32 v42, v41  }
0xaa: {  	v39 =	vsel vm2, $0x1, v4;
	v40 =	vsel vm3, $0x1, v4;
	v41 =	vsel vm4, $0x1, v4  }
0xab: {  	v42 =	vsel vm5, $0x1, v4;
	v43 =	vsel vm6, $0xB, v22;
	v44 =	vsel vm7, $0x2, v23  }
0xac: {  	vm1 =	vgt.u32 v27, v18;
	vm2 =	vgt.u32 v28, v18;
	vm3 =	vgt.u32 v29, v18  }
0xad: {  	vm4 =	vgt.u32 v36, v18;
	vm5 =	vgt.u32 v32, v18;
	vm6 =	vgt.u32 v38, v18  }
0xae: {  	v45 =	vsel vm0, $0x1, v4;
	v46 =	vsel vm8, $0x1, v24;
	vm7 =	vgt.u32 v26, v14  }
0xaf: {  	v30 =	vadd.s32 v34, v30;
	v31 =	vadd.s32 v39, v31;
	v33 =	vadd.s32 v40, v33  }
0xb0: {  	v34 =	vadd.s32 v41, v35;
	v35 =	vadd.s32 v42, v37;
	v37 =	vadd.s32 v43, v44  }
0xb1: {  	v39 =	vsel vm1, $0x1, v4;
	v40 =	vsel vm2, $0x1, v4;
	v41 =	vsel vm3, $0x1, v4  }
0xb2: {  	v42 =	vsel vm4, $0x1, v4;
	v43 =	vsel vm5, $0x1, v4;
	v44 =	vsel vm6, $0x1, v4  }
0xb3: {  	vm0 =	vgt.u32 v27, v19;
	v27 =	vadd.s32 v45, v46;
	vm1 =	vgt.u32 v28, v19  }
0xb4: {  	vm2 =	vgt.u32 v29, v19;
	vm3 =	vgt.u32 v36, v19;
	vm4 =	vgt.u32 v32, v19  }
0xb5: {  	v28 =	vor.u32 s6, v2;
	vm5 =	vgt.u32 v38, v19;
	v29 =	vsel vm7, $0xB, v22  }
0xb6: {  	v30 =	vadd.s32 v39, v30;
	v31 =	vadd.s32 v40, v31;
	vm6 =	vgt.u32 v26, v18  }
0xb7: {  	v26 =	vadd.s32 v41, v33;
	v32 =	vadd.s32 v42, v34;
	v33 =	vadd.s32 v43, v35  }
0xb8: {  	v34 =	vsel vm0, $0x1, v4;
	v35 =	vadd.s32 v44, v37;
	v27 =	vadd.s32 v29, v27  }
0xb9: {  	v36 =	vsel vm2, $0x1, v4;
	v29 =	vsel vm1, $0x1, v4;
	v37 =	vsel vm3, $0x1, v4  }
0xba: {  	vm0 =	vlt.s32 v28, $0xF;
	v38 =	vsel vm4, $0x1, v4;
	v39 =	vsel vm5, $0x1, v4  }
0xbb: {  	v30 =	vadd.s32 v34, v30;
	v29 =	vadd.s32 v29, v31;
	v31 =	vsel vm6, $0x1, v4  }
0xbc: {  	v26 =	vadd.s32 v36, v26;
	v32 =	vadd.s32 v37, v32;
	v33 =	vadd.s32 v38, v33  }
0xbd: {  	v28 =	vnsel vm0, $0xF, v28;
	v34 =	vadd.s32 v39, v35;
	v27 =	vadd.s32 v31, v27  }
0xbe: {  	v30 =	vperm.xlane v0, v30;
	v31 =	vadd.s32 s6, v20;
	v29 =	vperm.xlane v0, v29  }
0xbf: {  	v35 =	vadd.s32 s10, v20;
	v26 =	vperm.xlane v0, v26;
	v36 =	vperm.xlane v0, v32  }
0xc0: {  	v32 =	vadd.s32 s7, v20;
	v33 =	vperm.xlane v0, v33;
	v34 =	vperm.xlane v0, v34  }
0xc1: {  	v37 =	vadd.s32 s11, v20;
	v28 =	vperm.xlane v1, v28;
	v27 =	vperm.xlane v0, v27  }
.Ltmp1:
0xc2: {  	v38 =	vadd.s32 s9, v20;
	vm1 =	vlt.u32 v31, $0xF;
	v31 =	vadd.s32 s8, v20;
	(pc) =	sbr.rel @p0 .LBB2_3-.Ltmp1, $4  }
0xc3: {  	vm2 =	vlt.u32 v35, $0xF;
	vm4 =	vlt.u32 v37, $0xF;
	vm3 =	vlt.u32 v32, $0xF  }
0xc4: {  	vm0 =	vlt.u32 v25, $0xF;
	vm6 =	vlt.u32 v38, $0xF;
	vm5 =	vlt.u32 v31, $0xF  }
0xc5: {  	v25 =	vsel vm1, v28, v30;
	v32 =	vsel vm2, v16, v29;
	v31 =	vsel vm3, v16, v26  }
0xc6: {  	s5 =	sadd.s32 $0x80, s5;
	v30 =	vsel vm4, v16, v36;
	v28 =	vsel vm6, v16, v34;
	v29 =	vsel vm5, v16, v33;
	[tilespmem:s3+$0xFFFFFF90] =	vst v25  }
0xc7: {  	[tilespmem:s3+$0xFFFFFFB0] =	vst v32  }
0xc8: {  	[tilespmem:s3+$0xFFFFFFC0] =	vst v31  }
0xc9: {  	[tilespmem:s3+$0xFFFFFFD0] =	vst v30  }
0xca: {  	[tilespmem:s3+$0xFFFFFFE0] =	vst v29  }
0xcb: {  	v0 =	vsel vm0, v16, v27;
	[tilespmem:s3+$0xFFFFFFF0] =	vst v28;
	s4 =	sshll.u32 s1, $0x9;
	s29 =	simm.s32 $0x0  }
0xcc: {  	s30 =	simm.s32 $0x80;
	s31 =	simm.s32 $0x1;
	[tilespmem:s3+$0x0] =	vst v0;
	s2 =	sadd.s32 s2, s4  }
0xcd: {  	[hbm4b:s2+s29] =	stream.linear.scatter [tilespmem:s30], [sflag:$0x1], $0x1000, $0x38;
	[tilespmem:$0x1080] =	vst v63  }
0xce: {  	_ =	swait.ge [sflag:s31], $0x1000  }
0xcf: {  	[sflag:s31] =	ssyncset.done $0x0  }
0xd0: {  	[sflag:s31] =	ssyncadd.s32 $0xFFFFF000  }
0xd1: {  	_ =	sfence.sel $0x180000  }
0xd2: {  	[bflag:$0x0] =	sbarrier.arrive $0xFFFF  }
0xd3: {  	p0 =	sne.s32 s1, $0x0;
	_ =	strace $0x90000047  }
0xd4: {  	s0 =	sadd.s32 @!p0 $0x100000, s0;
	[bflag:$0x2] =	sbarrier.arrive $0xFFFF  }
0xd5: {  	[sflag:s0] =	ssyncadd.tile.s32 @!p0 $0x1;
	_ =	shalt  }
.Lfunc_end2:
_tile_overlayer_lowered:
.L_overlay_start_2:
0xd6: {  	(tag) =	ssettag $0x2  }
0xd7: {  	s0 =	rddreg [dreg:$0x0];
	s2 =	stileid.u32  }
0xd8: {  	s1 =	rddreg [dreg:$0x1];
	p0 =	sne.s32 s2, $0x0  }
0xd9: {  	s3 =	rddreg [dreg:$0x2];
	[bflag:$0x3] =	sbarrier.arrive $0xFFFF;
	s2 =	simm.s32 @!p0 $0x1C01  }
0xda: {  	[timem:s3], [sflag:s2] =	dma.local @!p0 [hbm:s0], s1  }
0xdb: {  	s0 =	simm.s32 @!p0 $0x1  }
0xdc: {  	_ =	swait.ge @!p0 [sflag:s0], s1  }
0xdd: {  	s1 =	ssub.s32 @!p0 $0x0, s1;
	[sflag:s0] =	ssyncset.done @!p0 $0x0  }
0xde: {  	[sflag:s0] =	ssyncadd.s32 @!p0 s1  }
0xdf: {  	[bflag:$0x3] =	sbarrier.arrive $0xFFFF  }
0xe0: {  	_ =	shalt  }

</sc_bundles>
